<compile_context>
chip_gen: v7x
topology: tpu7x:2x2x1
jax: 0.10.2.dev20260603
libtpu: 0.0.44.dev20260713+nightly
codegen_flags: <defaults>
</compile_context>

<pallas_src>
import functools

import jax
import jax.numpy as jnp
from jax import lax
from jax.experimental import pallas as pl
from jax.experimental.pallas import tpu as pltpu
from jax.experimental.pallas import tpu_sc as plsc

N_ATOMS = 3200000
N_PROPS = 14
ROW_PAD = 16
N_ROWS = 86
BLK = 128
NBLK = N_ATOMS // BLK
CB = 20
CHUNK = CB * BLK
NCHUNK = NBLK // CB
L = 16


def _make_kernel(nc, ns):
    nw = nc * ns
    per_w = -(-NCHUNK // nw)
    if per_w % 2:
        per_w += 1
    half = per_w // 2
    mesh = plsc.VectorSubcoreMesh(core_axis_name="c", subcore_axis_name="s")

    @functools.partial(
        pl.kernel,
        mesh=mesh,
        compiler_params=pltpu.CompilerParams(needs_layout_passes=False,
                                             use_tc_tiling_on_sc=False),
        out_type=(
            jax.ShapeDtypeStruct((N_ATOMS,), jnp.int32),
            jax.ShapeDtypeStruct((N_ATOMS,), jnp.int32),
            jax.ShapeDtypeStruct((2, NBLK, 8, BLK), jnp.float32),
        ),
        scratch_types=[
            pltpu.VMEM((2, CB, BLK), jnp.int32),
            pltpu.VMEM((2, CHUNK), jnp.int32),
            pltpu.VMEM((2, CHUNK), jnp.int32),
            pltpu.VMEM((2, CB, 8, BLK), jnp.float32),
            pltpu.VMEM((2, CB, 8, BLK), jnp.float32),
            pltpu.VMEM((N_ROWS * ROW_PAD,), jnp.int32),
            pltpu.SemaphoreType.DMA,
            pltpu.SemaphoreType.DMA,
            pltpu.SemaphoreType.DMA,
            pltpu.SemaphoreType.DMA,
        ],
    )
    def phys_ref_sc(z2_hbm, tab_hbm, period_out, group_out, props_out,
                    z_v, per_v, grp_v, p0_v, p1_v, tab_v,
                    zsem0, zsem1, osem0, osem1):
        wid = lax.axis_index("s") * nc + lax.axis_index("c")
        start = wid * per_w

        pltpu.sync_copy(tab_hbm, tab_v)

        zsem = (zsem0, zsem1)
        osem = (osem0, osem1)

        def geff(t):
            g = start + t
            return jnp.where(g < NCHUNK, g, start)

        def z_copy(p, g):
            return pltpu.make_async_copy(
                z2_hbm.at[pl.ds(g * CB, CB)], z_v.at[p], zsem[p])

        def out_copies(p, g):
            return (
                pltpu.make_async_copy(
                    per_v.at[p], period_out.at[pl.ds(g * CHUNK, CHUNK)],
                    osem[p]),
                pltpu.make_async_copy(
                    grp_v.at[p], group_out.at[pl.ds(g * CHUNK, CHUNK)],
                    osem[p]),
                pltpu.make_async_copy(
                    p0_v.at[p], props_out.at[0, pl.ds(g * CB, CB)], osem[p]),
                pltpu.make_async_copy(
                    p1_v.at[p], props_out.at[1, pl.ds(g * CB, CB)], osem[p]),
            )

        def compute(p):
            @plsc.parallel_loop(0, CHUNK // L, unroll=1)
            def body(t):
                blk = t // (BLK // L)
                gg = t % (BLK // L)
                za = z_v[p, blk, pl.ds(gg * L, L)]
                base = za * ROW_PAD
                for j in range(N_PROPS):
                    v = plsc.load_gather(tab_v, [base + j])
                    vf = plsc.bitcast(v, jnp.float32)
                    if j < 8:
                        p0_v[p, blk, j, pl.ds(gg * L, L)] = vf
                    else:
                        p1_v[p, blk, j - 8, pl.ds(gg * L, L)] = vf
                per_v[p, pl.ds(t * L, L)] = plsc.load_gather(
                    tab_v, [base + N_PROPS])
                grp_v[p, pl.ds(t * L, L)] = plsc.load_gather(
                    tab_v, [base + N_PROPS + 1])

        def finish(p, g, k):
            z_copy(p, g).wait()
            @pl.when(k > 0)
            def _():
                for cp in out_copies(p, g):
                    cp.wait()
            compute(p)
            for cp in out_copies(p, g):
                cp.start()

        z_copy(0, geff(0)).start()

        def body2(k, carry):
            g0 = geff(2 * k)
            g1 = geff(2 * k + 1)
            g2 = geff(2 * k + 2)
            z_copy(1, g1).start()
            finish(0, g0, k)
            @pl.when(k < half - 1)
            def _():
                z_copy(0, g2).start()
            finish(1, g1, k)
            return carry

        lax.fori_loop(0, half, body2, 0)

        for cp in out_copies(0, geff(per_w - 2)):
            cp.wait()
        for cp in out_copies(1, geff(per_w - 1)):
            cp.wait()

    return phys_ref_sc


def kernel(z, period_mapping, group_mapping, properties_mapping):
    info = plsc.get_sparse_core_info()
    f = _make_kernel(info.num_cores, info.num_subcores)
    tab = jnp.concatenate([
        jax.lax.bitcast_convert_type(properties_mapping, jnp.int32),
        period_mapping.astype(jnp.int32)[:, None],
        group_mapping.astype(jnp.int32)[:, None],
    ], axis=1).reshape(N_ROWS * ROW_PAD)
    z2 = z.reshape(NBLK, BLK)
    period, group, planes = f(z2, tab)
    props = planes.transpose(1, 3, 0, 2).reshape(N_ATOMS, 16)[:, :N_PROPS]
    return (period, group, props)

# --- scband reference (transcript-rebuilt; emitter-appended) ---
"""Pipeline reference for scband-phys-ref-6975026889417 (READ-ONLY COPY).

The authoritative reference and input builder live on the scoring server;
editing this copy changes nothing except your own understanding.
"""

import jax, jax.numpy as jnp
import numpy as np

N_ATOMS = 3200000
N_ELEMENTS = 85
N_PROPERTIES = 14  # all 14 default properties kept (short=False)
N_PERIODS = 8      # periods 1..7 -> n_periods = max+1
N_GROUPS = 20      # groups 1..19 (NaN filled with 19) -> n_groups = max+1


def setup_inputs(seed: int = 0) -> dict:
    key = jax.random.key(seed)
    k1, k2, k3, k4 = jax.random.split(key, 4)
    # atomic numbers for a large batch of atoms; index 0 is the padding row
    z = jax.random.randint(k1, (N_ATOMS,), 0, N_ELEMENTS + 1)
    # period_mapping: row 0 is 1 (torch.ones(1)), rows 1..85 are element periods.
    # The real module loads these from the mendeleev periodic table; here we
    # synthesize in-range values since the data files are unavailable.
    period_mapping = jnp.concatenate([
        jnp.ones((1,), dtype=jnp.int32),
        jax.random.randint(k2, (N_ELEMENTS,), 1, N_PERIODS),
    ])
    # group_mapping: row 0 is 1, rows 1..85 are group ids (NaN -> 19)
    group_mapping = jnp.concatenate([
        jnp.ones((1,), dtype=jnp.int32),
        jax.random.randint(k3, (N_ELEMENTS,), 1, N_GROUPS),
    ])
    # properties_mapping: row 0 zeros, rows 1..85 standardized physical properties
    properties_mapping = jnp.concatenate([
        jnp.zeros((1, N_PROPERTIES), dtype=jnp.float32),
        jax.random.normal(k4, (N_ELEMENTS, N_PROPERTIES), dtype=jnp.float32),
    ], axis=0)
    return {
        "z": z,
        "period_mapping": period_mapping,
        "group_mapping": group_mapping,
        "properties_mapping": properties_mapping,
    }


def reference(z, period_mapping, group_mapping, properties_mapping):
    # Faithful translation of PhysRef.period_and_group plus the
    # properties_mapping buffer lookup (properties=True): pure row gathers.
    period = jnp.take(period_mapping, z, axis=0)
    group = jnp.take(group_mapping, z, axis=0)
    props = jnp.take(properties_mapping, z, axis=0)
    return (period, group, props)

if __name__ == "__main__":
    import jax
    _d = setup_inputs()
    print(jax.jit(kernel)(*tuple(_d.values())))

</pallas_src>

<mosaic_0001>
#map = affine_map<(d0, d1) -> (0, 0)>
#map1 = affine_map<(d0, d1) -> (0)>
#map2 = affine_map<(d0, d1) -> (0, 0, 0, 0)>
module attributes {stable_mosaic.version = 14 : i64} {
  func.func @phys_ref_sc(%arg0: i32, %arg1: i32, %arg2: memref<25000x128xi32, #tpu.memory_space<hbm>>, %arg3: memref<1376xi32, #tpu.memory_space<hbm>>, %arg4: memref<3200000xi32, #tpu.memory_space<hbm>>, %arg5: memref<3200000xi32, #tpu.memory_space<hbm>>, %arg6: memref<2x25000x8x128xf32, #tpu.memory_space<hbm>>, %arg7: memref<2x20x128xi32, #tpu.memory_space<vmem>>, %arg8: memref<2x2560xi32, #tpu.memory_space<vmem>>, %arg9: memref<2x2560xi32, #tpu.memory_space<vmem>>, %arg10: memref<2x20x8x128xf32, #tpu.memory_space<vmem>>, %arg11: memref<2x20x8x128xf32, #tpu.memory_space<vmem>>, %arg12: memref<1376xi32, #tpu.memory_space<vmem>>, %arg13: memref<!tpu.dma_semaphore, #tpu.memory_space<semaphore_mem>>, %arg14: memref<!tpu.dma_semaphore, #tpu.memory_space<semaphore_mem>>, %arg15: memref<!tpu.dma_semaphore, #tpu.memory_space<semaphore_mem>>, %arg16: memref<!tpu.dma_semaphore, #tpu.memory_space<semaphore_mem>>) attributes {dimension_semantics = [#tpu.dimension_semantics<core_parallel>, #tpu.dimension_semantics<subcore_parallel>], iteration_bounds = array<i64: 2, 16>, scalar_prefetch = 0 : i64, scratch_operands = 10 : i64, tpu.core_type = #tpu.core_type<sc_vector_subcore>, window_params = [{transform_indices = #map}, {transform_indices = #map1}, {transform_indices = #map1}, {transform_indices = #map1}, {transform_indices = #map2}]} {
    %mul3A = arith.constant 2 : i32
    %mul3A_0 = arith.muli %arg1, %mul3A : i32
    %add3A = arith.addi %mul3A_0, %arg0 : i32
    %mul3A_1 = arith.constant 40 : i32
    %mul3A_2 = arith.muli %add3A, %mul3A_1 : i32
    "tpu.region"() ({
      %run_scoped3A = tpu.sem_alloc : memref<!tpu.dma_semaphore, #tpu.memory_space<semaphore_mem>>
      tpu.enqueue_dma source(%arg3 : memref<1376xi32, #tpu.memory_space<hbm>>) target(%arg12 : memref<1376xi32, #tpu.memory_space<vmem>>) target_semaphore(%run_scoped3A : memref<!tpu.dma_semaphore, #tpu.memory_space<semaphore_mem>>)
      tpu.wait_dma2 semaphore(%run_scoped3A : memref<!tpu.dma_semaphore, #tpu.memory_space<semaphore_mem>>) src(%arg3 : memref<1376xi32, #tpu.memory_space<hbm>>) dst(%arg12 : memref<1376xi32, #tpu.memory_space<vmem>>)
      tpu.yield
    }) : () -> ()
    %add3A_3 = arith.constant 0 : i32
    %add3A_4 = arith.addi %mul3A_2, %add3A_3 : i32
    %lt3A = arith.constant 1250 : i32
    %lt3A_5 = arith.cmpi slt, %add3A_4, %lt3A : i32
    %select_n3A = arith.select %lt3A_5, %add3A_4, %mul3A_2 : i32
    %mul3A_6 = arith.constant 20 : i32
    %mul3A_7 = arith.muli %select_n3A, %mul3A_6 : i32
    %dma_start3A = arith.constant 0 : i32
    %dma_start3A_8 = arith.constant 0 : i32
    %dma_start3A_9 = arith.constant 0 : i32
    %dma_start3A_10 = tpu.memref_slice %arg7[%dma_start3A, %dma_start3A_8, %dma_start3A_9] : memref<2x20x128xi32, #tpu.memory_space<vmem>> -> memref<1x20x128xi32, #tpu.memory_space<vmem>>
    %dma_start3A_11 = tpu.memref_squeeze %dma_start3A_10 : memref<1x20x128xi32, #tpu.memory_space<vmem>> -> memref<20x128xi32, #tpu.memory_space<vmem>>
    %dma_start3A_12 = arith.constant 0 : i32
    %dma_start3A_13 = tpu.memref_slice %arg2[%mul3A_7, %dma_start3A_12] : memref<25000x128xi32, #tpu.memory_space<hbm>> -> memref<20x128xi32, #tpu.memory_space<hbm>>
    %dma_start3A_14 = arith.constant 0 : i32
    %dma_start3A_15 = arith.constant 0 : i32
    %dma_start3A_16 = tpu.memref_slice %arg7[%dma_start3A, %dma_start3A_14, %dma_start3A_15] : memref<2x20x128xi32, #tpu.memory_space<vmem>> -> memref<1x20x128xi32, #tpu.memory_space<vmem>>
    %dma_start3A_17 = tpu.memref_squeeze %dma_start3A_16 : memref<1x20x128xi32, #tpu.memory_space<vmem>> -> memref<20x128xi32, #tpu.memory_space<vmem>>
    %dma_start3A_18 = arith.constant 0 : i32
    %dma_start3A_19 = tpu.memref_slice %arg2[%mul3A_7, %dma_start3A_18] : memref<25000x128xi32, #tpu.memory_space<hbm>> -> memref<20x128xi32, #tpu.memory_space<hbm>>
    tpu.enqueue_dma source(%dma_start3A_19 : memref<20x128xi32, #tpu.memory_space<hbm>>) target(%dma_start3A_17 : memref<20x128xi32, #tpu.memory_space<vmem>>) target_semaphore(%arg13 : memref<!tpu.dma_semaphore, #tpu.memory_space<semaphore_mem>>)
    %scan3A = arith.constant 0 : i32
    %scan3A_20 = arith.constant 0 : i32
    %scan3A_21 = arith.constant 20 : i32
    %scan3A_22 = arith.addi %scan3A_20, %scan3A_21 : i32
    %scan3A_23 = arith.constant 1 : i32
    scf.for %scan3A_166 = %scan3A_20 to %scan3A_22 step %scan3A_23  : i32 {
      %mul3A_167 = arith.constant 2 : i32
      %mul3A_168 = arith.muli %mul3A_167, %scan3A_166 : i32
      %add3A_169 = arith.addi %mul3A_2, %mul3A_168 : i32
      %lt3A_170 = arith.constant 1250 : i32
      %lt3A_171 = arith.cmpi slt, %add3A_169, %lt3A_170 : i32
      %select_n3A_172 = arith.select %lt3A_171, %add3A_169, %mul3A_2 : i32
      %mul3A_173 = arith.constant 2 : i32
      %mul3A_174 = arith.muli %mul3A_173, %scan3A_166 : i32
      %add3A_175 = arith.constant 1 : i32
      %add3A_176 = arith.addi %mul3A_174, %add3A_175 : i32
      %add3A_177 = arith.addi %mul3A_2, %add3A_176 : i32
      %lt3A_178 = arith.constant 1250 : i32
      %lt3A_179 = arith.cmpi slt, %add3A_177, %lt3A_178 : i32
      %select_n3A_180 = arith.select %lt3A_179, %add3A_177, %mul3A_2 : i32
      %mul3A_181 = arith.constant 2 : i32
      %mul3A_182 = arith.muli %mul3A_181, %scan3A_166 : i32
      %add3A_183 = arith.constant 2 : i32
      %add3A_184 = arith.addi %mul3A_182, %add3A_183 : i32
      %add3A_185 = arith.addi %mul3A_2, %add3A_184 : i32
      %lt3A_186 = arith.constant 1250 : i32
      %lt3A_187 = arith.cmpi slt, %add3A_185, %lt3A_186 : i32
      %select_n3A_188 = arith.select %lt3A_187, %add3A_185, %mul3A_2 : i32
      %mul3A_189 = arith.constant 20 : i32
      %mul3A_190 = arith.muli %select_n3A_180, %mul3A_189 : i32
      %dma_start3A_191 = arith.constant 1 : i32
      %dma_start3A_192 = arith.constant 0 : i32
      %dma_start3A_193 = arith.constant 0 : i32
      %dma_start3A_194 = tpu.memref_slice %arg7[%dma_start3A_191, %dma_start3A_192, %dma_start3A_193] : memref<2x20x128xi32, #tpu.memory_space<vmem>> -> memref<1x20x128xi32, #tpu.memory_space<vmem>>
      %dma_start3A_195 = tpu.memref_squeeze %dma_start3A_194 : memref<1x20x128xi32, #tpu.memory_space<vmem>> -> memref<20x128xi32, #tpu.memory_space<vmem>>
      %dma_start3A_196 = arith.constant 0 : i32
      %dma_start3A_197 = tpu.memref_slice %arg2[%mul3A_190, %dma_start3A_196] : memref<25000x128xi32, #tpu.memory_space<hbm>> -> memref<20x128xi32, #tpu.memory_space<hbm>>
      %dma_start3A_198 = arith.constant 0 : i32
      %dma_start3A_199 = arith.constant 0 : i32
      %dma_start3A_200 = tpu.memref_slice %arg7[%dma_start3A_191, %dma_start3A_198, %dma_start3A_199] : memref<2x20x128xi32, #tpu.memory_space<vmem>> -> memref<1x20x128xi32, #tpu.memory_space<vmem>>
      %dma_start3A_201 = tpu.memref_squeeze %dma_start3A_200 : memref<1x20x128xi32, #tpu.memory_space<vmem>> -> memref<20x128xi32, #tpu.memory_space<vmem>>
      %dma_start3A_202 = arith.constant 0 : i32
      %dma_start3A_203 = tpu.memref_slice %arg2[%mul3A_190, %dma_start3A_202] : memref<25000x128xi32, #tpu.memory_space<hbm>> -> memref<20x128xi32, #tpu.memory_space<hbm>>
      tpu.enqueue_dma source(%dma_start3A_203 : memref<20x128xi32, #tpu.memory_space<hbm>>) target(%dma_start3A_201 : memref<20x128xi32, #tpu.memory_space<vmem>>) target_semaphore(%arg14 : memref<!tpu.dma_semaphore, #tpu.memory_space<semaphore_mem>>)
      %mul3A_204 = arith.constant 20 : i32
      %mul3A_205 = arith.muli %select_n3A_172, %mul3A_204 : i32
      %dma_wait3A_206 = arith.constant 0 : i32
      %dma_wait3A_207 = arith.constant 0 : i32
      %dma_wait3A_208 = arith.constant 0 : i32
      %dma_wait3A_209 = tpu.memref_slice %arg7[%dma_wait3A_206, %dma_wait3A_207, %dma_wait3A_208] : memref<2x20x128xi32, #tpu.memory_space<vmem>> -> memref<1x20x128xi32, #tpu.memory_space<vmem>>
      %dma_wait3A_210 = tpu.memref_squeeze %dma_wait3A_209 : memref<1x20x128xi32, #tpu.memory_space<vmem>> -> memref<20x128xi32, #tpu.memory_space<vmem>>
      %dma_wait3A_211 = arith.constant 0 : i32
      %dma_wait3A_212 = tpu.memref_slice %arg2[%mul3A_205, %dma_wait3A_211] : memref<25000x128xi32, #tpu.memory_space<hbm>> -> memref<20x128xi32, #tpu.memory_space<hbm>>
      %dma_wait3A_213 = arith.constant 0 : i32
      %dma_wait3A_214 = arith.constant 0 : i32
      %dma_wait3A_215 = tpu.memref_slice %arg7[%dma_wait3A_206, %dma_wait3A_213, %dma_wait3A_214] : memref<2x20x128xi32, #tpu.memory_space<vmem>> -> memref<1x20x128xi32, #tpu.memory_space<vmem>>
      %dma_wait3A_216 = tpu.memref_squeeze %dma_wait3A_215 : memref<1x20x128xi32, #tpu.memory_space<vmem>> -> memref<20x128xi32, #tpu.memory_space<vmem>>
      %dma_wait3A_217 = arith.constant 0 : i32
      %dma_wait3A_218 = tpu.memref_slice %arg2[%mul3A_205, %dma_wait3A_217] : memref<25000x128xi32, #tpu.memory_space<hbm>> -> memref<20x128xi32, #tpu.memory_space<hbm>>
      tpu.wait_dma2 semaphore(%arg13 : memref<!tpu.dma_semaphore, #tpu.memory_space<semaphore_mem>>) src(%dma_wait3A_218 : memref<20x128xi32, #tpu.memory_space<hbm>>) dst(%dma_wait3A_216 : memref<20x128xi32, #tpu.memory_space<vmem>>)
      %gt3A = arith.constant 0 : i32
      %gt3A_219 = arith.cmpi sgt, %scan3A_166, %gt3A : i32
      %convert_element_type3A = arith.extui %gt3A_219 : i1 to i32
      %cond3A = arith.constant 0 : i32
      %cond3A_220 = arith.cmpi ne, %convert_element_type3A, %cond3A : i32
      scf.if %cond3A_220 {
        %mul3A_383 = arith.constant 2560 : i32
        %mul3A_384 = arith.muli %select_n3A_172, %mul3A_383 : i32
        %mul3A_385 = arith.constant 2560 : i32
        %mul3A_386 = arith.muli %select_n3A_172, %mul3A_385 : i32
        %mul3A_387 = arith.constant 20 : i32
        %mul3A_388 = arith.muli %select_n3A_172, %mul3A_387 : i32
        %mul3A_389 = arith.constant 20 : i32
        %mul3A_390 = arith.muli %select_n3A_172, %mul3A_389 : i32
        %dma_wait3A_391 = arith.constant 0 : i32
        %dma_wait3A_392 = arith.constant 0 : i32
        %dma_wait3A_393 = tpu.memref_slice %arg8[%dma_wait3A_391, %dma_wait3A_392] : memref<2x2560xi32, #tpu.memory_space<vmem>> -> memref<1x2560xi32, #tpu.memory_space<vmem>>
        %dma_wait3A_394 = tpu.memref_squeeze %dma_wait3A_393 : memref<1x2560xi32, #tpu.memory_space<vmem>> -> memref<2560xi32, #tpu.memory_space<vmem>>
        %dma_wait3A_395 = tpu.memref_slice %arg4[%mul3A_384] : memref<3200000xi32, #tpu.memory_space<hbm>> -> memref<2560xi32, #tpu.memory_space<hbm>>
        %dma_wait3A_396 = tpu.memref_slice %arg4[%mul3A_384] : memref<3200000xi32, #tpu.memory_space<hbm>> -> memref<2560xi32, #tpu.memory_space<hbm>>
        %dma_wait3A_397 = arith.constant 0 : i32
        %dma_wait3A_398 = tpu.memref_slice %arg8[%dma_wait3A_391, %dma_wait3A_397] : memref<2x2560xi32, #tpu.memory_space<vmem>> -> memref<1x2560xi32, #tpu.memory_space<vmem>>
        %dma_wait3A_399 = tpu.memref_squeeze %dma_wait3A_398 : memref<1x2560xi32, #tpu.memory_space<vmem>> -> memref<2560xi32, #tpu.memory_space<vmem>>
        tpu.wait_dma2 semaphore(%arg15 : memref<!tpu.dma_semaphore, #tpu.memory_space<semaphore_mem>>) src(%dma_wait3A_399 : memref<2560xi32, #tpu.memory_space<vmem>>) dst(%dma_wait3A_396 : memref<2560xi32, #tpu.memory_space<hbm>>)
        %dma_wait3A_400 = arith.constant 0 : i32
        %dma_wait3A_401 = arith.constant 0 : i32
        %dma_wait3A_402 = tpu.memref_slice %arg9[%dma_wait3A_400, %dma_wait3A_401] : memref<2x2560xi32, #tpu.memory_space<vmem>> -> memref<1x2560xi32, #tpu.memory_space<vmem>>
        %dma_wait3A_403 = tpu.memref_squeeze %dma_wait3A_402 : memref<1x2560xi32, #tpu.memory_space<vmem>> -> memref<2560xi32, #tpu.memory_space<vmem>>
        %dma_wait3A_404 = tpu.memref_slice %arg5[%mul3A_386] : memref<3200000xi32, #tpu.memory_space<hbm>> -> memref<2560xi32, #tpu.memory_space<hbm>>
        %dma_wait3A_405 = tpu.memref_slice %arg5[%mul3A_386] : memref<3200000xi32, #tpu.memory_space<hbm>> -> memref<2560xi32, #tpu.memory_space<hbm>>
        %dma_wait3A_406 = arith.constant 0 : i32
        %dma_wait3A_407 = tpu.memref_slice %arg9[%dma_wait3A_400, %dma_wait3A_406] : memref<2x2560xi32, #tpu.memory_space<vmem>> -> memref<1x2560xi32, #tpu.memory_space<vmem>>
        %dma_wait3A_408 = tpu.memref_squeeze %dma_wait3A_407 : memref<1x2560xi32, #tpu.memory_space<vmem>> -> memref<2560xi32, #tpu.memory_space<vmem>>
        tpu.wait_dma2 semaphore(%arg15 : memref<!tpu.dma_semaphore, #tpu.memory_space<semaphore_mem>>) src(%dma_wait3A_408 : memref<2560xi32, #tpu.memory_space<vmem>>) dst(%dma_wait3A_405 : memref<2560xi32, #tpu.memory_space<hbm>>)
        %dma_wait3A_409 = arith.constant 0 : i32
        %dma_wait3A_410 = arith.constant 0 : i32
        %dma_wait3A_411 = arith.constant 0 : i32
        %dma_wait3A_412 = arith.constant 0 : i32
        %dma_wait3A_413 = arith.constant 0 : i32
        %dma_wait3A_414 = tpu.memref_slice %arg10[%dma_wait3A_409, %dma_wait3A_411, %dma_wait3A_412, %dma_wait3A_413] : memref<2x20x8x128xf32, #tpu.memory_space<vmem>> -> memref<1x20x8x128xf32, #tpu.memory_space<vmem>>
        %dma_wait3A_415 = tpu.memref_squeeze %dma_wait3A_414 : memref<1x20x8x128xf32, #tpu.memory_space<vmem>> -> memref<20x8x128xf32, #tpu.memory_space<vmem>>
        %dma_wait3A_416 = arith.constant 0 : i32
        %dma_wait3A_417 = arith.constant 0 : i32
        %dma_wait3A_418 = tpu.memref_slice %arg6[%dma_wait3A_410, %mul3A_388, %dma_wait3A_416, %dma_wait3A_417] : memref<2x25000x8x128xf32, #tpu.memory_space<hbm>> -> memref<1x20x8x128xf32, #tpu.memory_space<hbm>>
        %dma_wait3A_419 = tpu.memref_squeeze %dma_wait3A_418 : memref<1x20x8x128xf32, #tpu.memory_space<hbm>> -> memref<20x8x128xf32, #tpu.memory_space<hbm>>
        %dma_wait3A_420 = arith.constant 0 : i32
        %dma_wait3A_421 = arith.constant 0 : i32
        %dma_wait3A_422 = tpu.memref_slice %arg6[%dma_wait3A_410, %mul3A_388, %dma_wait3A_420, %dma_wait3A_421] : memref<2x25000x8x128xf32, #tpu.memory_space<hbm>> -> memref<1x20x8x128xf32, #tpu.memory_space<hbm>>
        %dma_wait3A_423 = tpu.memref_squeeze %dma_wait3A_422 : memref<1x20x8x128xf32, #tpu.memory_space<hbm>> -> memref<20x8x128xf32, #tpu.memory_space<hbm>>
        %dma_wait3A_424 = arith.constant 0 : i32
        %dma_wait3A_425 = arith.constant 0 : i32
        %dma_wait3A_426 = arith.constant 0 : i32
        %dma_wait3A_427 = tpu.memref_slice %arg10[%dma_wait3A_409, %dma_wait3A_424, %dma_wait3A_425, %dma_wait3A_426] : memref<2x20x8x128xf32, #tpu.memory_space<vmem>> -> memref<1x20x8x128xf32, #tpu.memory_space<vmem>>
        %dma_wait3A_428 = tpu.memref_squeeze %dma_wait3A_427 : memref<1x20x8x128xf32, #tpu.memory_space<vmem>> -> memref<20x8x128xf32, #tpu.memory_space<vmem>>
        tpu.wait_dma2 semaphore(%arg15 : memref<!tpu.dma_semaphore, #tpu.memory_space<semaphore_mem>>) src(%dma_wait3A_428 : memref<20x8x128xf32, #tpu.memory_space<vmem>>) dst(%dma_wait3A_423 : memref<20x8x128xf32, #tpu.memory_space<hbm>>)
        %dma_wait3A_429 = arith.constant 0 : i32
        %dma_wait3A_430 = arith.constant 1 : i32
        %dma_wait3A_431 = arith.constant 0 : i32
        %dma_wait3A_432 = arith.constant 0 : i32
        %dma_wait3A_433 = arith.constant 0 : i32
        %dma_wait3A_434 = tpu.memref_slice %arg11[%dma_wait3A_429, %dma_wait3A_431, %dma_wait3A_432, %dma_wait3A_433] : memref<2x20x8x128xf32, #tpu.memory_space<vmem>> -> memref<1x20x8x128xf32, #tpu.memory_space<vmem>>
        %dma_wait3A_435 = tpu.memref_squeeze %dma_wait3A_434 : memref<1x20x8x128xf32, #tpu.memory_space<vmem>> -> memref<20x8x128xf32, #tpu.memory_space<vmem>>
        %dma_wait3A_436 = arith.constant 0 : i32
        %dma_wait3A_437 = arith.constant 0 : i32
        %dma_wait3A_438 = tpu.memref_slice %arg6[%dma_wait3A_430, %mul3A_390, %dma_wait3A_436, %dma_wait3A_437] : memref<2x25000x8x128xf32, #tpu.memory_space<hbm>> -> memref<1x20x8x128xf32, #tpu.memory_space<hbm>>
        %dma_wait3A_439 = tpu.memref_squeeze %dma_wait3A_438 : memref<1x20x8x128xf32, #tpu.memory_space<hbm>> -> memref<20x8x128xf32, #tpu.memory_space<hbm>>
        %dma_wait3A_440 = arith.constant 0 : i32
        %dma_wait3A_441 = arith.constant 0 : i32
        %dma_wait3A_442 = tpu.memref_slice %arg6[%dma_wait3A_430, %mul3A_390, %dma_wait3A_440, %dma_wait3A_441] : memref<2x25000x8x128xf32, #tpu.memory_space<hbm>> -> memref<1x20x8x128xf32, #tpu.memory_space<hbm>>
        %dma_wait3A_443 = tpu.memref_squeeze %dma_wait3A_442 : memref<1x20x8x128xf32, #tpu.memory_space<hbm>> -> memref<20x8x128xf32, #tpu.memory_space<hbm>>
        %dma_wait3A_444 = arith.constant 0 : i32
        %dma_wait3A_445 = arith.constant 0 : i32
        %dma_wait3A_446 = arith.constant 0 : i32
        %dma_wait3A_447 = tpu.memref_slice %arg11[%dma_wait3A_429, %dma_wait3A_444, %dma_wait3A_445, %dma_wait3A_446] : memref<2x20x8x128xf32, #tpu.memory_space<vmem>> -> memref<1x20x8x128xf32, #tpu.memory_space<vmem>>
        %dma_wait3A_448 = tpu.memref_squeeze %dma_wait3A_447 : memref<1x20x8x128xf32, #tpu.memory_space<vmem>> -> memref<20x8x128xf32, #tpu.memory_space<vmem>>
        tpu.wait_dma2 semaphore(%arg15 : memref<!tpu.dma_semaphore, #tpu.memory_space<semaphore_mem>>) src(%dma_wait3A_448 : memref<20x8x128xf32, #tpu.memory_space<vmem>>) dst(%dma_wait3A_443 : memref<20x8x128xf32, #tpu.memory_space<hbm>>)
      } else {
      }
      %parallel_loop3A = arith.constant 0 : i32
      %parallel_loop3A_221 = arith.constant 160 : i32
      %parallel_loop3A_222 = arith.constant 1 : i32
      scf.for %parallel_loop3A_383 = %parallel_loop3A to %parallel_loop3A_221 step %parallel_loop3A_222  : i32 {
        %parallel_loop3A_384 = arith.constant 8 : i32
        %parallel_loop3A_385 = arith.divsi %parallel_loop3A_383, %parallel_loop3A_384 : i32
        %parallel_loop3A_386 = arith.constant 0 : i32
        %parallel_loop3A_387 = arith.cmpi sgt, %parallel_loop3A_383, %parallel_loop3A_386 : i32
        %parallel_loop3A_388 = arith.extui %parallel_loop3A_387 : i1 to i32
        %parallel_loop3A_389 = arith.constant 0 : i32
        %parallel_loop3A_390 = arith.cmpi slt, %parallel_loop3A_383, %parallel_loop3A_389 : i32
        %parallel_loop3A_391 = arith.extui %parallel_loop3A_390 : i1 to i32
        %parallel_loop3A_392 = arith.subi %parallel_loop3A_388, %parallel_loop3A_391 : i32
        %parallel_loop3A_393 = arith.constant 0 : i32
        %parallel_loop3A_394 = arith.cmpi sgt, %parallel_loop3A_384, %parallel_loop3A_393 : i32
        %parallel_loop3A_395 = arith.extui %parallel_loop3A_394 : i1 to i32
        %parallel_loop3A_396 = arith.constant 0 : i32
        %parallel_loop3A_397 = arith.cmpi slt, %parallel_loop3A_384, %parallel_loop3A_396 : i32
        %parallel_loop3A_398 = arith.extui %parallel_loop3A_397 : i1 to i32
        %parallel_loop3A_399 = arith.subi %parallel_loop3A_395, %parallel_loop3A_398 : i32
        %parallel_loop3A_400 = arith.cmpi ne, %parallel_loop3A_392, %parallel_loop3A_399 : i32
        %parallel_loop3A_401 = arith.remsi %parallel_loop3A_383, %parallel_loop3A_384 : i32
        %parallel_loop3A_402 = arith.constant 0 : i32
        %parallel_loop3A_403 = arith.cmpi ne, %parallel_loop3A_401, %parallel_loop3A_402 : i32
        %parallel_loop3A_404 = arith.andi %parallel_loop3A_400, %parallel_loop3A_403 : i1
        %parallel_loop3A_405 = arith.constant 1 : i32
        %parallel_loop3A_406 = arith.subi %parallel_loop3A_385, %parallel_loop3A_405 : i32
        %parallel_loop3A_407 = arith.select %parallel_loop3A_404, %parallel_loop3A_406, %parallel_loop3A_385 : i32
        %parallel_loop3A_408 = arith.constant 8 : i32
        %parallel_loop3A_409 = arith.constant 0 : i32
        %parallel_loop3A_410 = arith.cmpi eq, %parallel_loop3A_408, %parallel_loop3A_409 : i32
        %parallel_loop3A_411 = arith.constant 1 : i32
        %parallel_loop3A_412 = arith.select %parallel_loop3A_410, %parallel_loop3A_411, %parallel_loop3A_408 : i32
        %parallel_loop3A_413 = arith.remsi %parallel_loop3A_383, %parallel_loop3A_412 : i32
        %parallel_loop3A_414 = arith.constant 0 : i32
        %parallel_loop3A_415 = arith.cmpi ne, %parallel_loop3A_413, %parallel_loop3A_414 : i32
        %parallel_loop3A_416 = arith.constant 0 : i32
        %parallel_loop3A_417 = arith.cmpi slt, %parallel_loop3A_413, %parallel_loop3A_416 : i32
        %parallel_loop3A_418 = arith.constant 0 : i32
        %parallel_loop3A_419 = arith.cmpi slt, %parallel_loop3A_412, %parallel_loop3A_418 : i32
        %parallel_loop3A_420 = arith.xori %parallel_loop3A_417, %parallel_loop3A_419 : i1
        %parallel_loop3A_421 = arith.andi %parallel_loop3A_420, %parallel_loop3A_415 : i1
        %parallel_loop3A_422 = arith.addi %parallel_loop3A_413, %parallel_loop3A_412 : i32
        %parallel_loop3A_423 = arith.select %parallel_loop3A_421, %parallel_loop3A_422, %parallel_loop3A_413 : i32
        %parallel_loop3A_424 = arith.constant 16 : i32
        %parallel_loop3A_425 = arith.muli %parallel_loop3A_423, %parallel_loop3A_424 : i32
        %parallel_loop3A_426 = arith.constant 0 : i32
        %parallel_loop3A_427 = arith.index_cast %parallel_loop3A_426 : i32 to index
        %parallel_loop3A_428 = arith.index_cast %parallel_loop3A_407 : i32 to index
        %parallel_loop3A_429 = arith.index_cast %parallel_loop3A_425 : i32 to index
        %parallel_loop3A_430 = tpu.vector_load %arg7[%parallel_loop3A_427, %parallel_loop3A_428, %parallel_loop3A_429] {strides = array<i32>} : memref<2x20x128xi32, #tpu.memory_space<vmem>>, vector<16xi32>,
        %parallel_loop3A_431 = arith.constant 16 : i32
        %parallel_loop3A_432 = vector.broadcast %parallel_loop3A_431 : i32 to vector<16xi32>
        %parallel_loop3A_433 = arith.muli %parallel_loop3A_430, %parallel_loop3A_432 : vector<16xi32>
        %parallel_loop3A_434 = arith.constant 0 : i32
        %parallel_loop3A_435 = vector.broadcast %parallel_loop3A_434 : i32 to vector<16xi32>
        %parallel_loop3A_436 = arith.addi %parallel_loop3A_433, %parallel_loop3A_435 : vector<16xi32>
        %parallel_loop3A_437 = tpu.vector_load_idx %arg12[%parallel_loop3A_436] : memref<1376xi32, #tpu.memory_space<vmem>>[vector<16xi32>], vector<16xi32>,
        %parallel_loop3A_438 = vector.bitcast %parallel_loop3A_437 : vector<16xi32> to vector<16xf32>
        %parallel_loop3A_439 = arith.constant 16 : i32
        %parallel_loop3A_440 = arith.muli %parallel_loop3A_423, %parallel_loop3A_439 : i32
        %parallel_loop3A_441 = arith.constant 0 : i32
        %parallel_loop3A_442 = arith.constant 0 : i32
        %parallel_loop3A_443 = arith.index_cast %parallel_loop3A_441 : i32 to index
        %parallel_loop3A_444 = arith.index_cast %parallel_loop3A_407 : i32 to index
        %parallel_loop3A_445 = arith.index_cast %parallel_loop3A_442 : i32 to index
        %parallel_loop3A_446 = arith.index_cast %parallel_loop3A_440 : i32 to index
        %parallel_loop3A_447 = tpu.vector_load %arg10[%parallel_loop3A_443, %parallel_loop3A_444, %parallel_loop3A_445, %parallel_loop3A_446] {strides = array<i32>} : memref<2x20x8x128xf32, #tpu.memory_space<vmem>>, vector<16xf32>,
        tpu.vector_store %arg10[%parallel_loop3A_443, %parallel_loop3A_444, %parallel_loop3A_445, %parallel_loop3A_446], %parallel_loop3A_438 {strides = array<i32>} : memref<2x20x8x128xf32, #tpu.memory_space<vmem>>, vector<16xf32>,
        %parallel_loop3A_448 = arith.constant 1 : i32
        %parallel_loop3A_449 = vector.broadcast %parallel_loop3A_448 : i32 to vector<16xi32>
        %parallel_loop3A_450 = arith.addi %parallel_loop3A_433, %parallel_loop3A_449 : vector<16xi32>
        %parallel_loop3A_451 = tpu.vector_load_idx %arg12[%parallel_loop3A_450] : memref<1376xi32, #tpu.memory_space<vmem>>[vector<16xi32>], vector<16xi32>,
        %parallel_loop3A_452 = vector.bitcast %parallel_loop3A_451 : vector<16xi32> to vector<16xf32>
        %parallel_loop3A_453 = arith.constant 16 : i32
        %parallel_loop3A_454 = arith.muli %parallel_loop3A_423, %parallel_loop3A_453 : i32
        %parallel_loop3A_455 = arith.constant 0 : i32
        %parallel_loop3A_456 = arith.constant 1 : i32
        %parallel_loop3A_457 = arith.index_cast %parallel_loop3A_455 : i32 to index
        %parallel_loop3A_458 = arith.index_cast %parallel_loop3A_407 : i32 to index
        %parallel_loop3A_459 = arith.index_cast %parallel_loop3A_456 : i32 to index
        %parallel_loop3A_460 = arith.index_cast %parallel_loop3A_454 : i32 to index
        %parallel_loop3A_461 = tpu.vector_load %arg10[%parallel_loop3A_457, %parallel_loop3A_458, %parallel_loop3A_459, %parallel_loop3A_460] {strides = array<i32>} : memref<2x20x8x128xf32, #tpu.memory_space<vmem>>, vector<16xf32>,
        tpu.vector_store %arg10[%parallel_loop3A_457, %parallel_loop3A_458, %parallel_loop3A_459, %parallel_loop3A_460], %parallel_loop3A_452 {strides = array<i32>} : memref<2x20x8x128xf32, #tpu.memory_space<vmem>>, vector<16xf32>,
        %parallel_loop3A_462 = arith.constant 2 : i32
        %parallel_loop3A_463 = vector.broadcast %parallel_loop3A_462 : i32 to vector<16xi32>
        %parallel_loop3A_464 = arith.addi %parallel_loop3A_433, %parallel_loop3A_463 : vector<16xi32>
        %parallel_loop3A_465 = tpu.vector_load_idx %arg12[%parallel_loop3A_464] : memref<1376xi32, #tpu.memory_space<vmem>>[vector<16xi32>], vector<16xi32>,
        %parallel_loop3A_466 = vector.bitcast %parallel_loop3A_465 : vector<16xi32> to vector<16xf32>
        %parallel_loop3A_467 = arith.constant 16 : i32
        %parallel_loop3A_468 = arith.muli %parallel_loop3A_423, %parallel_loop3A_467 : i32
        %parallel_loop3A_469 = arith.constant 0 : i32
        %parallel_loop3A_470 = arith.constant 2 : i32
        %parallel_loop3A_471 = arith.index_cast %parallel_loop3A_469 : i32 to index
        %parallel_loop3A_472 = arith.index_cast %parallel_loop3A_407 : i32 to index
        %parallel_loop3A_473 = arith.index_cast %parallel_loop3A_470 : i32 to index
        %parallel_loop3A_474 = arith.index_cast %parallel_loop3A_468 : i32 to index
        %parallel_loop3A_475 = tpu.vector_load %arg10[%parallel_loop3A_471, %parallel_loop3A_472, %parallel_loop3A_473, %parallel_loop3A_474] {strides = array<i32>} : memref<2x20x8x128xf32, #tpu.memory_space<vmem>>, vector<16xf32>,
        tpu.vector_store %arg10[%parallel_loop3A_471, %parallel_loop3A_472, %parallel_loop3A_473, %parallel_loop3A_474], %parallel_loop3A_466 {strides = array<i32>} : memref<2x20x8x128xf32, #tpu.memory_space<vmem>>, vector<16xf32>,
        %parallel_loop3A_476 = arith.constant 3 : i32
        %parallel_loop3A_477 = vector.broadcast %parallel_loop3A_476 : i32 to vector<16xi32>
        %parallel_loop3A_478 = arith.addi %parallel_loop3A_433, %parallel_loop3A_477 : vector<16xi32>
        %parallel_loop3A_479 = tpu.vector_load_idx %arg12[%parallel_loop3A_478] : memref<1376xi32, #tpu.memory_space<vmem>>[vector<16xi32>], vector<16xi32>,
        %parallel_loop3A_480 = vector.bitcast %parallel_loop3A_479 : vector<16xi32> to vector<16xf32>
        %parallel_loop3A_481 = arith.constant 16 : i32
        %parallel_loop3A_482 = arith.muli %parallel_loop3A_423, %parallel_loop3A_481 : i32
        %parallel_loop3A_483 = arith.constant 0 : i32
        %parallel_loop3A_484 = arith.constant 3 : i32
        %parallel_loop3A_485 = arith.index_cast %parallel_loop3A_483 : i32 to index
        %parallel_loop3A_486 = arith.index_cast %parallel_loop3A_407 : i32 to index
        %parallel_loop3A_487 = arith.index_cast %parallel_loop3A_484 : i32 to index
        %parallel_loop3A_488 = arith.index_cast %parallel_loop3A_482 : i32 to index
        %parallel_loop3A_489 = tpu.vector_load %arg10[%parallel_loop3A_485, %parallel_loop3A_486, %parallel_loop3A_487, %parallel_loop3A_488] {strides = array<i32>} : memref<2x20x8x128xf32, #tpu.memory_space<vmem>>, vector<16xf32>,
        tpu.vector_store %arg10[%parallel_loop3A_485, %parallel_loop3A_486, %parallel_loop3A_487, %parallel_loop3A_488], %parallel_loop3A_480 {strides = array<i32>} : memref<2x20x8x128xf32, #tpu.memory_space<vmem>>, vector<16xf32>,
        %parallel_loop3A_490 = arith.constant 4 : i32
        %parallel_loop3A_491 = vector.broadcast %parallel_loop3A_490 : i32 to vector<16xi32>
        %parallel_loop3A_492 = arith.addi %parallel_loop3A_433, %parallel_loop3A_491 : vector<16xi32>
        %parallel_loop3A_493 = tpu.vector_load_idx %arg12[%parallel_loop3A_492] : memref<1376xi32, #tpu.memory_space<vmem>>[vector<16xi32>], vector<16xi32>,
        %parallel_loop3A_494 = vector.bitcast %parallel_loop3A_493 : vector<16xi32> to vector<16xf32>
        %parallel_loop3A_495 = arith.constant 16 : i32
        %parallel_loop3A_496 = arith.muli %parallel_loop3A_423, %parallel_loop3A_495 : i32
        %parallel_loop3A_497 = arith.constant 0 : i32
        %parallel_loop3A_498 = arith.constant 4 : i32
        %parallel_loop3A_499 = arith.index_cast %parallel_loop3A_497 : i32 to index
        %parallel_loop3A_500 = arith.index_cast %parallel_loop3A_407 : i32 to index
        %parallel_loop3A_501 = arith.index_cast %parallel_loop3A_498 : i32 to index
        %parallel_loop3A_502 = arith.index_cast %parallel_loop3A_496 : i32 to index
        %parallel_loop3A_503 = tpu.vector_load %arg10[%parallel_loop3A_499, %parallel_loop3A_500, %parallel_loop3A_501, %parallel_loop3A_502] {strides = array<i32>} : memref<2x20x8x128xf32, #tpu.memory_space<vmem>>, vector<16xf32>,
        tpu.vector_store %arg10[%parallel_loop3A_499, %parallel_loop3A_500, %parallel_loop3A_501, %parallel_loop3A_502], %parallel_loop3A_494 {strides = array<i32>} : memref<2x20x8x128xf32, #tpu.memory_space<vmem>>, vector<16xf32>,
        %parallel_loop3A_504 = arith.constant 5 : i32
        %parallel_loop3A_505 = vector.broadcast %parallel_loop3A_504 : i32 to vector<16xi32>
        %parallel_loop3A_506 = arith.addi %parallel_loop3A_433, %parallel_loop3A_505 : vector<16xi32>
        %parallel_loop3A_507 = tpu.vector_load_idx %arg12[%parallel_loop3A_506] : memref<1376xi32, #tpu.memory_space<vmem>>[vector<16xi32>], vector<16xi32>,
        %parallel_loop3A_508 = vector.bitcast %parallel_loop3A_507 : vector<16xi32> to vector<16xf32>
        %parallel_loop3A_509 = arith.constant 16 : i32
        %parallel_loop3A_510 = arith.muli %parallel_loop3A_423, %parallel_loop3A_509 : i32
        %parallel_loop3A_511 = arith.constant 0 : i32
        %parallel_loop3A_512 = arith.constant 5 : i32
        %parallel_loop3A_513 = arith.index_cast %parallel_loop3A_511 : i32 to index
        %parallel_loop3A_514 = arith.index_cast %parallel_loop3A_407 : i32 to index
        %parallel_loop3A_515 = arith.index_cast %parallel_loop3A_512 : i32 to index
        %parallel_loop3A_516 = arith.index_cast %parallel_loop3A_510 : i32 to index
        %parallel_loop3A_517 = tpu.vector_load %arg10[%parallel_loop3A_513, %parallel_loop3A_514, %parallel_loop3A_515, %parallel_loop3A_516] {strides = array<i32>} : memref<2x20x8x128xf32, #tpu.memory_space<vmem>>, vector<16xf32>,
        tpu.vector_store %arg10[%parallel_loop3A_513, %parallel_loop3A_514, %parallel_loop3A_515, %parallel_loop3A_516], %parallel_loop3A_508 {strides = array<i32>} : memref<2x20x8x128xf32, #tpu.memory_space<vmem>>, vector<16xf32>,
        %parallel_loop3A_518 = arith.constant 6 : i32
        %parallel_loop3A_519 = vector.broadcast %parallel_loop3A_518 : i32 to vector<16xi32>
        %parallel_loop3A_520 = arith.addi %parallel_loop3A_433, %parallel_loop3A_519 : vector<16xi32>
        %parallel_loop3A_521 = tpu.vector_load_idx %arg12[%parallel_loop3A_520] : memref<1376xi32, #tpu.memory_space<vmem>>[vector<16xi32>], vector<16xi32>,
        %parallel_loop3A_522 = vector.bitcast %parallel_loop3A_521 : vector<16xi32> to vector<16xf32>
        %parallel_loop3A_523 = arith.constant 16 : i32
        %parallel_loop3A_524 = arith.muli %parallel_loop3A_423, %parallel_loop3A_523 : i32
        %parallel_loop3A_525 = arith.constant 0 : i32
        %parallel_loop3A_526 = arith.constant 6 : i32
        %parallel_loop3A_527 = arith.index_cast %parallel_loop3A_525 : i32 to index
        %parallel_loop3A_528 = arith.index_cast %parallel_loop3A_407 : i32 to index
        %parallel_loop3A_529 = arith.index_cast %parallel_loop3A_526 : i32 to index
        %parallel_loop3A_530 = arith.index_cast %parallel_loop3A_524 : i32 to index
        %parallel_loop3A_531 = tpu.vector_load %arg10[%parallel_loop3A_527, %parallel_loop3A_528, %parallel_loop3A_529, %parallel_loop3A_530] {strides = array<i32>} : memref<2x20x8x128xf32, #tpu.memory_space<vmem>>, vector<16xf32>,
        tpu.vector_store %arg10[%parallel_loop3A_527, %parallel_loop3A_528, %parallel_loop3A_529, %parallel_loop3A_530], %parallel_loop3A_522 {strides = array<i32>} : memref<2x20x8x128xf32, #tpu.memory_space<vmem>>, vector<16xf32>,
        %parallel_loop3A_532 = arith.constant 7 : i32
        %parallel_loop3A_533 = vector.broadcast %parallel_loop3A_532 : i32 to vector<16xi32>
        %parallel_loop3A_534 = arith.addi %parallel_loop3A_433, %parallel_loop3A_533 : vector<16xi32>
        %parallel_loop3A_535 = tpu.vector_load_idx %arg12[%parallel_loop3A_534] : memref<1376xi32, #tpu.memory_space<vmem>>[vector<16xi32>], vector<16xi32>,
        %parallel_loop3A_536 = vector.bitcast %parallel_loop3A_535 : vector<16xi32> to vector<16xf32>
        %parallel_loop3A_537 = arith.constant 16 : i32
        %parallel_loop3A_538 = arith.muli %parallel_loop3A_423, %parallel_loop3A_537 : i32
        %parallel_loop3A_539 = arith.constant 0 : i32
        %parallel_loop3A_540 = arith.constant 7 : i32
        %parallel_loop3A_541 = arith.index_cast %parallel_loop3A_539 : i32 to index
        %parallel_loop3A_542 = arith.index_cast %parallel_loop3A_407 : i32 to index
        %parallel_loop3A_543 = arith.index_cast %parallel_loop3A_540 : i32 to index
        %parallel_loop3A_544 = arith.index_cast %parallel_loop3A_538 : i32 to index
        %parallel_loop3A_545 = tpu.vector_load %arg10[%parallel_loop3A_541, %parallel_loop3A_542, %parallel_loop3A_543, %parallel_loop3A_544] {strides = array<i32>} : memref<2x20x8x128xf32, #tpu.memory_space<vmem>>, vector<16xf32>,
        tpu.vector_store %arg10[%parallel_loop3A_541, %parallel_loop3A_542, %parallel_loop3A_543, %parallel_loop3A_544], %parallel_loop3A_536 {strides = array<i32>} : memref<2x20x8x128xf32, #tpu.memory_space<vmem>>, vector<16xf32>,
        %parallel_loop3A_546 = arith.constant 8 : i32
        %parallel_loop3A_547 = vector.broadcast %parallel_loop3A_546 : i32 to vector<16xi32>
        %parallel_loop3A_548 = arith.addi %parallel_loop3A_433, %parallel_loop3A_547 : vector<16xi32>
        %parallel_loop3A_549 = tpu.vector_load_idx %arg12[%parallel_loop3A_548] : memref<1376xi32, #tpu.memory_space<vmem>>[vector<16xi32>], vector<16xi32>,
        %parallel_loop3A_550 = vector.bitcast %parallel_loop3A_549 : vector<16xi32> to vector<16xf32>
        %parallel_loop3A_551 = arith.constant 16 : i32
        %parallel_loop3A_552 = arith.muli %parallel_loop3A_423, %parallel_loop3A_551 : i32
        %parallel_loop3A_553 = arith.constant 0 : i32
        %parallel_loop3A_554 = arith.constant 0 : i32
        %parallel_loop3A_555 = arith.index_cast %parallel_loop3A_553 : i32 to index
        %parallel_loop3A_556 = arith.index_cast %parallel_loop3A_407 : i32 to index
        %parallel_loop3A_557 = arith.index_cast %parallel_loop3A_554 : i32 to index
        %parallel_loop3A_558 = arith.index_cast %parallel_loop3A_552 : i32 to index
        %parallel_loop3A_559 = tpu.vector_load %arg11[%parallel_loop3A_555, %parallel_loop3A_556, %parallel_loop3A_557, %parallel_loop3A_558] {strides = array<i32>} : memref<2x20x8x128xf32, #tpu.memory_space<vmem>>, vector<16xf32>,
        tpu.vector_store %arg11[%parallel_loop3A_555, %parallel_loop3A_556, %parallel_loop3A_557, %parallel_loop3A_558], %parallel_loop3A_550 {strides = array<i32>} : memref<2x20x8x128xf32, #tpu.memory_space<vmem>>, vector<16xf32>,
        %parallel_loop3A_560 = arith.constant 9 : i32
        %parallel_loop3A_561 = vector.broadcast %parallel_loop3A_560 : i32 to vector<16xi32>
        %parallel_loop3A_562 = arith.addi %parallel_loop3A_433, %parallel_loop3A_561 : vector<16xi32>
        %parallel_loop3A_563 = tpu.vector_load_idx %arg12[%parallel_loop3A_562] : memref<1376xi32, #tpu.memory_space<vmem>>[vector<16xi32>], vector<16xi32>,
        %parallel_loop3A_564 = vector.bitcast %parallel_loop3A_563 : vector<16xi32> to vector<16xf32>
        %parallel_loop3A_565 = arith.constant 16 : i32
        %parallel_loop3A_566 = arith.muli %parallel_loop3A_423, %parallel_loop3A_565 : i32
        %parallel_loop3A_567 = arith.constant 0 : i32
        %parallel_loop3A_568 = arith.constant 1 : i32
        %parallel_loop3A_569 = arith.index_cast %parallel_loop3A_567 : i32 to index
        %parallel_loop3A_570 = arith.index_cast %parallel_loop3A_407 : i32 to index
        %parallel_loop3A_571 = arith.index_cast %parallel_loop3A_568 : i32 to index
        %parallel_loop3A_572 = arith.index_cast %parallel_loop3A_566 : i32 to index
        %parallel_loop3A_573 = tpu.vector_load %arg11[%parallel_loop3A_569, %parallel_loop3A_570, %parallel_loop3A_571, %parallel_loop3A_572] {strides = array<i32>} : memref<2x20x8x128xf32, #tpu.memory_space<vmem>>, vector<16xf32>,
        tpu.vector_store %arg11[%parallel_loop3A_569, %parallel_loop3A_570, %parallel_loop3A_571, %parallel_loop3A_572], %parallel_loop3A_564 {strides = array<i32>} : memref<2x20x8x128xf32, #tpu.memory_space<vmem>>, vector<16xf32>,
        %parallel_loop3A_574 = arith.constant 10 : i32
        %parallel_loop3A_575 = vector.broadcast %parallel_loop3A_574 : i32 to vector<16xi32>
        %parallel_loop3A_576 = arith.addi %parallel_loop3A_433, %parallel_loop3A_575 : vector<16xi32>
        %parallel_loop3A_577 = tpu.vector_load_idx %arg12[%parallel_loop3A_576] : memref<1376xi32, #tpu.memory_space<vmem>>[vector<16xi32>], vector<16xi32>,
        %parallel_loop3A_578 = vector.bitcast %parallel_loop3A_577 : vector<16xi32> to vector<16xf32>
        %parallel_loop3A_579 = arith.constant 16 : i32
        %parallel_loop3A_580 = arith.muli %parallel_loop3A_423, %parallel_loop3A_579 : i32
        %parallel_loop3A_581 = arith.constant 0 : i32
        %parallel_loop3A_582 = arith.constant 2 : i32
        %parallel_loop3A_583 = arith.index_cast %parallel_loop3A_581 : i32 to index
        %parallel_loop3A_584 = arith.index_cast %parallel_loop3A_407 : i32 to index
        %parallel_loop3A_585 = arith.index_cast %parallel_loop3A_582 : i32 to index
        %parallel_loop3A_586 = arith.index_cast %parallel_loop3A_580 : i32 to index
        %parallel_loop3A_587 = tpu.vector_load %arg11[%parallel_loop3A_583, %parallel_loop3A_584, %parallel_loop3A_585, %parallel_loop3A_586] {strides = array<i32>} : memref<2x20x8x128xf32, #tpu.memory_space<vmem>>, vector<16xf32>,
        tpu.vector_store %arg11[%parallel_loop3A_583, %parallel_loop3A_584, %parallel_loop3A_585, %parallel_loop3A_586], %parallel_loop3A_578 {strides = array<i32>} : memref<2x20x8x128xf32, #tpu.memory_space<vmem>>, vector<16xf32>,
        %parallel_loop3A_588 = arith.constant 11 : i32
        %parallel_loop3A_589 = vector.broadcast %parallel_loop3A_588 : i32 to vector<16xi32>
        %parallel_loop3A_590 = arith.addi %parallel_loop3A_433, %parallel_loop3A_589 : vector<16xi32>
        %parallel_loop3A_591 = tpu.vector_load_idx %arg12[%parallel_loop3A_590] : memref<1376xi32, #tpu.memory_space<vmem>>[vector<16xi32>], vector<16xi32>,
        %parallel_loop3A_592 = vector.bitcast %parallel_loop3A_591 : vector<16xi32> to vector<16xf32>
        %parallel_loop3A_593 = arith.constant 16 : i32
        %parallel_loop3A_594 = arith.muli %parallel_loop3A_423, %parallel_loop3A_593 : i32
        %parallel_loop3A_595 = arith.constant 0 : i32
        %parallel_loop3A_596 = arith.constant 3 : i32
        %parallel_loop3A_597 = arith.index_cast %parallel_loop3A_595 : i32 to index
        %parallel_loop3A_598 = arith.index_cast %parallel_loop3A_407 : i32 to index
        %parallel_loop3A_599 = arith.index_cast %parallel_loop3A_596 : i32 to index
        %parallel_loop3A_600 = arith.index_cast %parallel_loop3A_594 : i32 to index
        %parallel_loop3A_601 = tpu.vector_load %arg11[%parallel_loop3A_597, %parallel_loop3A_598, %parallel_loop3A_599, %parallel_loop3A_600] {strides = array<i32>} : memref<2x20x8x128xf32, #tpu.memory_space<vmem>>, vector<16xf32>,
        tpu.vector_store %arg11[%parallel_loop3A_597, %parallel_loop3A_598, %parallel_loop3A_599, %parallel_loop3A_600], %parallel_loop3A_592 {strides = array<i32>} : memref<2x20x8x128xf32, #tpu.memory_space<vmem>>, vector<16xf32>,
        %parallel_loop3A_602 = arith.constant 12 : i32
        %parallel_loop3A_603 = vector.broadcast %parallel_loop3A_602 : i32 to vector<16xi32>
        %parallel_loop3A_604 = arith.addi %parallel_loop3A_433, %parallel_loop3A_603 : vector<16xi32>
        %parallel_loop3A_605 = tpu.vector_load_idx %arg12[%parallel_loop3A_604] : memref<1376xi32, #tpu.memory_space<vmem>>[vector<16xi32>], vector<16xi32>,
        %parallel_loop3A_606 = vector.bitcast %parallel_loop3A_605 : vector<16xi32> to vector<16xf32>
        %parallel_loop3A_607 = arith.constant 16 : i32
        %parallel_loop3A_608 = arith.muli %parallel_loop3A_423, %parallel_loop3A_607 : i32
        %parallel_loop3A_609 = arith.constant 0 : i32
        %parallel_loop3A_610 = arith.constant 4 : i32
        %parallel_loop3A_611 = arith.index_cast %parallel_loop3A_609 : i32 to index
        %parallel_loop3A_612 = arith.index_cast %parallel_loop3A_407 : i32 to index
        %parallel_loop3A_613 = arith.index_cast %parallel_loop3A_610 : i32 to index
        %parallel_loop3A_614 = arith.index_cast %parallel_loop3A_608 : i32 to index
        %parallel_loop3A_615 = tpu.vector_load %arg11[%parallel_loop3A_611, %parallel_loop3A_612, %parallel_loop3A_613, %parallel_loop3A_614] {strides = array<i32>} : memref<2x20x8x128xf32, #tpu.memory_space<vmem>>, vector<16xf32>,
        tpu.vector_store %arg11[%parallel_loop3A_611, %parallel_loop3A_612, %parallel_loop3A_613, %parallel_loop3A_614], %parallel_loop3A_606 {strides = array<i32>} : memref<2x20x8x128xf32, #tpu.memory_space<vmem>>, vector<16xf32>,
        %parallel_loop3A_616 = arith.constant 13 : i32
        %parallel_loop3A_617 = vector.broadcast %parallel_loop3A_616 : i32 to vector<16xi32>
        %parallel_loop3A_618 = arith.addi %parallel_loop3A_433, %parallel_loop3A_617 : vector<16xi32>
        %parallel_loop3A_619 = tpu.vector_load_idx %arg12[%parallel_loop3A_618] : memref<1376xi32, #tpu.memory_space<vmem>>[vector<16xi32>], vector<16xi32>,
        %parallel_loop3A_620 = vector.bitcast %parallel_loop3A_619 : vector<16xi32> to vector<16xf32>
        %parallel_loop3A_621 = arith.constant 16 : i32
        %parallel_loop3A_622 = arith.muli %parallel_loop3A_423, %parallel_loop3A_621 : i32
        %parallel_loop3A_623 = arith.constant 0 : i32
        %parallel_loop3A_624 = arith.constant 5 : i32
        %parallel_loop3A_625 = arith.index_cast %parallel_loop3A_623 : i32 to index
        %parallel_loop3A_626 = arith.index_cast %parallel_loop3A_407 : i32 to index
        %parallel_loop3A_627 = arith.index_cast %parallel_loop3A_624 : i32 to index
        %parallel_loop3A_628 = arith.index_cast %parallel_loop3A_622 : i32 to index
        %parallel_loop3A_629 = tpu.vector_load %arg11[%parallel_loop3A_625, %parallel_loop3A_626, %parallel_loop3A_627, %parallel_loop3A_628] {strides = array<i32>} : memref<2x20x8x128xf32, #tpu.memory_space<vmem>>, vector<16xf32>,
        tpu.vector_store %arg11[%parallel_loop3A_625, %parallel_loop3A_626, %parallel_loop3A_627, %parallel_loop3A_628], %parallel_loop3A_620 {strides = array<i32>} : memref<2x20x8x128xf32, #tpu.memory_space<vmem>>, vector<16xf32>,
        %parallel_loop3A_630 = arith.constant 14 : i32
        %parallel_loop3A_631 = vector.broadcast %parallel_loop3A_630 : i32 to vector<16xi32>
        %parallel_loop3A_632 = arith.addi %parallel_loop3A_433, %parallel_loop3A_631 : vector<16xi32>
        %parallel_loop3A_633 = tpu.vector_load_idx %arg12[%parallel_loop3A_632] : memref<1376xi32, #tpu.memory_space<vmem>>[vector<16xi32>], vector<16xi32>,
        %parallel_loop3A_634 = arith.constant 16 : i32
        %parallel_loop3A_635 = arith.muli %parallel_loop3A_383, %parallel_loop3A_634 : i32
        %parallel_loop3A_636 = arith.constant 0 : i32
        %parallel_loop3A_637 = arith.index_cast %parallel_loop3A_636 : i32 to index
        %parallel_loop3A_638 = arith.index_cast %parallel_loop3A_635 : i32 to index
        %parallel_loop3A_639 = tpu.vector_load %arg8[%parallel_loop3A_637, %parallel_loop3A_638] {strides = array<i32>} : memref<2x2560xi32, #tpu.memory_space<vmem>>, vector<16xi32>,
        tpu.vector_store %arg8[%parallel_loop3A_637, %parallel_loop3A_638], %parallel_loop3A_633 {strides = array<i32>} : memref<2x2560xi32, #tpu.memory_space<vmem>>, vector<16xi32>,
        %parallel_loop3A_640 = arith.constant 14 : i32
        %parallel_loop3A_641 = vector.broadcast %parallel_loop3A_640 : i32 to vector<16xi32>
        %parallel_loop3A_642 = arith.addi %parallel_loop3A_433, %parallel_loop3A_641 : vector<16xi32>
        %parallel_loop3A_643 = arith.constant 1 : i32
        %parallel_loop3A_644 = vector.broadcast %parallel_loop3A_643 : i32 to vector<16xi32>
        %parallel_loop3A_645 = arith.addi %parallel_loop3A_642, %parallel_loop3A_644 : vector<16xi32>
        %parallel_loop3A_646 = tpu.vector_load_idx %arg12[%parallel_loop3A_645] : memref<1376xi32, #tpu.memory_space<vmem>>[vector<16xi32>], vector<16xi32>,
        %parallel_loop3A_647 = arith.constant 16 : i32
        %parallel_loop3A_648 = arith.muli %parallel_loop3A_383, %parallel_loop3A_647 : i32
        %parallel_loop3A_649 = arith.constant 0 : i32
        %parallel_loop3A_650 = arith.index_cast %parallel_loop3A_649 : i32 to index
        %parallel_loop3A_651 = arith.index_cast %parallel_loop3A_648 : i32 to index
        %parallel_loop3A_652 = tpu.vector_load %arg9[%parallel_loop3A_650, %parallel_loop3A_651] {strides = array<i32>} : memref<2x2560xi32, #tpu.memory_space<vmem>>, vector<16xi32>,
        tpu.vector_store %arg9[%parallel_loop3A_650, %parallel_loop3A_651], %parallel_loop3A_646 {strides = array<i32>} : memref<2x2560xi32, #tpu.memory_space<vmem>>, vector<16xi32>,
      } {sc.loop_unroll_factor = 1 : i64, sc.parallel_access}
      %mul3A_223 = arith.constant 2560 : i32
      %mul3A_224 = arith.muli %select_n3A_172, %mul3A_223 : i32
      %mul3A_225 = arith.constant 2560 : i32
      %mul3A_226 = arith.muli %select_n3A_172, %mul3A_225 : i32
      %mul3A_227 = arith.constant 20 : i32
      %mul3A_228 = arith.muli %select_n3A_172, %mul3A_227 : i32
      %mul3A_229 = arith.constant 20 : i32
      %mul3A_230 = arith.muli %select_n3A_172, %mul3A_229 : i32
      %dma_start3A_231 = arith.constant 0 : i32
      %dma_start3A_232 = arith.constant 0 : i32
      %dma_start3A_233 = tpu.memref_slice %arg8[%dma_start3A_231, %dma_start3A_232] : memref<2x2560xi32, #tpu.memory_space<vmem>> -> memref<1x2560xi32, #tpu.memory_space<vmem>>
      %dma_start3A_234 = tpu.memref_squeeze %dma_start3A_233 : memref<1x2560xi32, #tpu.memory_space<vmem>> -> memref<2560xi32, #tpu.memory_space<vmem>>
      %dma_start3A_235 = tpu.memref_slice %arg4[%mul3A_224] : memref<3200000xi32, #tpu.memory_space<hbm>> -> memref<2560xi32, #tpu.memory_space<hbm>>
      %dma_start3A_236 = tpu.memref_slice %arg4[%mul3A_224] : memref<3200000xi32, #tpu.memory_space<hbm>> -> memref<2560xi32, #tpu.memory_space<hbm>>
      %dma_start3A_237 = arith.constant 0 : i32
      %dma_start3A_238 = tpu.memref_slice %arg8[%dma_start3A_231, %dma_start3A_237] : memref<2x2560xi32, #tpu.memory_space<vmem>> -> memref<1x2560xi32, #tpu.memory_space<vmem>>
      %dma_start3A_239 = tpu.memref_squeeze %dma_start3A_238 : memref<1x2560xi32, #tpu.memory_space<vmem>> -> memref<2560xi32, #tpu.memory_space<vmem>>
      tpu.enqueue_dma source(%dma_start3A_239 : memref<2560xi32, #tpu.memory_space<vmem>>) target(%dma_start3A_236 : memref<2560xi32, #tpu.memory_space<hbm>>) target_semaphore(%arg15 : memref<!tpu.dma_semaphore, #tpu.memory_space<semaphore_mem>>)
      %dma_start3A_240 = arith.constant 0 : i32
      %dma_start3A_241 = arith.constant 0 : i32
      %dma_start3A_242 = tpu.memref_slice %arg9[%dma_start3A_240, %dma_start3A_241] : memref<2x2560xi32, #tpu.memory_space<vmem>> -> memref<1x2560xi32, #tpu.memory_space<vmem>>
      %dma_start3A_243 = tpu.memref_squeeze %dma_start3A_242 : memref<1x2560xi32, #tpu.memory_space<vmem>> -> memref<2560xi32, #tpu.memory_space<vmem>>
      %dma_start3A_244 = tpu.memref_slice %arg5[%mul3A_226] : memref<3200000xi32, #tpu.memory_space<hbm>> -> memref<2560xi32, #tpu.memory_space<hbm>>
      %dma_start3A_245 = tpu.memref_slice %arg5[%mul3A_226] : memref<3200000xi32, #tpu.memory_space<hbm>> -> memref<2560xi32, #tpu.memory_space<hbm>>
      %dma_start3A_246 = arith.constant 0 : i32
      %dma_start3A_247 = tpu.memref_slice %arg9[%dma_start3A_240, %dma_start3A_246] : memref<2x2560xi32, #tpu.memory_space<vmem>> -> memref<1x2560xi32, #tpu.memory_space<vmem>>
      %dma_start3A_248 = tpu.memref_squeeze %dma_start3A_247 : memref<1x2560xi32, #tpu.memory_space<vmem>> -> memref<2560xi32, #tpu.memory_space<vmem>>
      tpu.enqueue_dma source(%dma_start3A_248 : memref<2560xi32, #tpu.memory_space<vmem>>) target(%dma_start3A_245 : memref<2560xi32, #tpu.memory_space<hbm>>) target_semaphore(%arg15 : memref<!tpu.dma_semaphore, #tpu.memory_space<semaphore_mem>>)
      %dma_start3A_249 = arith.constant 0 : i32
      %dma_start3A_250 = arith.constant 0 : i32
      %dma_start3A_251 = arith.constant 0 : i32
      %dma_start3A_252 = arith.constant 0 : i32
      %dma_start3A_253 = arith.constant 0 : i32
      %dma_start3A_254 = tpu.memref_slice %arg10[%dma_start3A_249, %dma_start3A_251, %dma_start3A_252, %dma_start3A_253] : memref<2x20x8x128xf32, #tpu.memory_space<vmem>> -> memref<1x20x8x128xf32, #tpu.memory_space<vmem>>
      %dma_start3A_255 = tpu.memref_squeeze %dma_start3A_254 : memref<1x20x8x128xf32, #tpu.memory_space<vmem>> -> memref<20x8x128xf32, #tpu.memory_space<vmem>>
      %dma_start3A_256 = arith.constant 0 : i32
      %dma_start3A_257 = arith.constant 0 : i32
      %dma_start3A_258 = tpu.memref_slice %arg6[%dma_start3A_250, %mul3A_228, %dma_start3A_256, %dma_start3A_257] : memref<2x25000x8x128xf32, #tpu.memory_space<hbm>> -> memref<1x20x8x128xf32, #tpu.memory_space<hbm>>
      %dma_start3A_259 = tpu.memref_squeeze %dma_start3A_258 : memref<1x20x8x128xf32, #tpu.memory_space<hbm>> -> memref<20x8x128xf32, #tpu.memory_space<hbm>>
      %dma_start3A_260 = arith.constant 0 : i32
      %dma_start3A_261 = arith.constant 0 : i32
      %dma_start3A_262 = tpu.memref_slice %arg6[%dma_start3A_250, %mul3A_228, %dma_start3A_260, %dma_start3A_261] : memref<2x25000x8x128xf32, #tpu.memory_space<hbm>> -> memref<1x20x8x128xf32, #tpu.memory_space<hbm>>
      %dma_start3A_263 = tpu.memref_squeeze %dma_start3A_262 : memref<1x20x8x128xf32, #tpu.memory_space<hbm>> -> memref<20x8x128xf32, #tpu.memory_space<hbm>>
      %dma_start3A_264 = arith.constant 0 : i32
      %dma_start3A_265 = arith.constant 0 : i32
      %dma_start3A_266 = arith.constant 0 : i32
      %dma_start3A_267 = tpu.memref_slice %arg10[%dma_start3A_249, %dma_start3A_264, %dma_start3A_265, %dma_start3A_266] : memref<2x20x8x128xf32, #tpu.memory_space<vmem>> -> memref<1x20x8x128xf32, #tpu.memory_space<vmem>>
      %dma_start3A_268 = tpu.memref_squeeze %dma_start3A_267 : memref<1x20x8x128xf32, #tpu.memory_space<vmem>> -> memref<20x8x128xf32, #tpu.memory_space<vmem>>
      tpu.enqueue_dma source(%dma_start3A_268 : memref<20x8x128xf32, #tpu.memory_space<vmem>>) target(%dma_start3A_263 : memref<20x8x128xf32, #tpu.memory_space<hbm>>) target_semaphore(%arg15 : memref<!tpu.dma_semaphore, #tpu.memory_space<semaphore_mem>>)
      %dma_start3A_269 = arith.constant 0 : i32
      %dma_start3A_270 = arith.constant 1 : i32
      %dma_start3A_271 = arith.constant 0 : i32
      %dma_start3A_272 = arith.constant 0 : i32
      %dma_start3A_273 = arith.constant 0 : i32
      %dma_start3A_274 = tpu.memref_slice %arg11[%dma_start3A_269, %dma_start3A_271, %dma_start3A_272, %dma_start3A_273] : memref<2x20x8x128xf32, #tpu.memory_space<vmem>> -> memref<1x20x8x128xf32, #tpu.memory_space<vmem>>
      %dma_start3A_275 = tpu.memref_squeeze %dma_start3A_274 : memref<1x20x8x128xf32, #tpu.memory_space<vmem>> -> memref<20x8x128xf32, #tpu.memory_space<vmem>>
      %dma_start3A_276 = arith.constant 0 : i32
      %dma_start3A_277 = arith.constant 0 : i32
      %dma_start3A_278 = tpu.memref_slice %arg6[%dma_start3A_270, %mul3A_230, %dma_start3A_276, %dma_start3A_277] : memref<2x25000x8x128xf32, #tpu.memory_space<hbm>> -> memref<1x20x8x128xf32, #tpu.memory_space<hbm>>
      %dma_start3A_279 = tpu.memref_squeeze %dma_start3A_278 : memref<1x20x8x128xf32, #tpu.memory_space<hbm>> -> memref<20x8x128xf32, #tpu.memory_space<hbm>>
      %dma_start3A_280 = arith.constant 0 : i32
      %dma_start3A_281 = arith.constant 0 : i32
      %dma_start3A_282 = tpu.memref_slice %arg6[%dma_start3A_270, %mul3A_230, %dma_start3A_280, %dma_start3A_281] : memref<2x25000x8x128xf32, #tpu.memory_space<hbm>> -> memref<1x20x8x128xf32, #tpu.memory_space<hbm>>
      %dma_start3A_283 = tpu.memref_squeeze %dma_start3A_282 : memref<1x20x8x128xf32, #tpu.memory_space<hbm>> -> memref<20x8x128xf32, #tpu.memory_space<hbm>>
      %dma_start3A_284 = arith.constant 0 : i32
      %dma_start3A_285 = arith.constant 0 : i32
      %dma_start3A_286 = arith.constant 0 : i32
      %dma_start3A_287 = tpu.memref_slice %arg11[%dma_start3A_269, %dma_start3A_284, %dma_start3A_285, %dma_start3A_286] : memref<2x20x8x128xf32, #tpu.memory_space<vmem>> -> memref<1x20x8x128xf32, #tpu.memory_space<vmem>>
      %dma_start3A_288 = tpu.memref_squeeze %dma_start3A_287 : memref<1x20x8x128xf32, #tpu.memory_space<vmem>> -> memref<20x8x128xf32, #tpu.memory_space<vmem>>
      tpu.enqueue_dma source(%dma_start3A_288 : memref<20x8x128xf32, #tpu.memory_space<vmem>>) target(%dma_start3A_283 : memref<20x8x128xf32, #tpu.memory_space<hbm>>) target_semaphore(%arg15 : memref<!tpu.dma_semaphore, #tpu.memory_space<semaphore_mem>>)
      %lt3A_289 = arith.constant 19 : i32
      %lt3A_290 = arith.cmpi slt, %scan3A_166, %lt3A_289 : i32
      %convert_element_type3A_291 = arith.extui %lt3A_290 : i1 to i32
      %cond3A_292 = arith.constant 0 : i32
      %cond3A_293 = arith.cmpi ne, %convert_element_type3A_291, %cond3A_292 : i32
      scf.if %cond3A_293 {
        %mul3A_383 = arith.constant 20 : i32
        %mul3A_384 = arith.muli %select_n3A_188, %mul3A_383 : i32
        %dma_start3A_385 = arith.constant 0 : i32
        %dma_start3A_386 = arith.constant 0 : i32
        %dma_start3A_387 = arith.constant 0 : i32
        %dma_start3A_388 = tpu.memref_slice %arg7[%dma_start3A_385, %dma_start3A_386, %dma_start3A_387] : memref<2x20x128xi32, #tpu.memory_space<vmem>> -> memref<1x20x128xi32, #tpu.memory_space<vmem>>
        %dma_start3A_389 = tpu.memref_squeeze %dma_start3A_388 : memref<1x20x128xi32, #tpu.memory_space<vmem>> -> memref<20x128xi32, #tpu.memory_space<vmem>>
        %dma_start3A_390 = arith.constant 0 : i32
        %dma_start3A_391 = tpu.memref_slice %arg2[%mul3A_384, %dma_start3A_390] : memref<25000x128xi32, #tpu.memory_space<hbm>> -> memref<20x128xi32, #tpu.memory_space<hbm>>
        %dma_start3A_392 = arith.constant 0 : i32
        %dma_start3A_393 = arith.constant 0 : i32
        %dma_start3A_394 = tpu.memref_slice %arg7[%dma_start3A_385, %dma_start3A_392, %dma_start3A_393] : memref<2x20x128xi32, #tpu.memory_space<vmem>> -> memref<1x20x128xi32, #tpu.memory_space<vmem>>
        %dma_start3A_395 = tpu.memref_squeeze %dma_start3A_394 : memref<1x20x128xi32, #tpu.memory_space<vmem>> -> memref<20x128xi32, #tpu.memory_space<vmem>>
        %dma_start3A_396 = arith.constant 0 : i32
        %dma_start3A_397 = tpu.memref_slice %arg2[%mul3A_384, %dma_start3A_396] : memref<25000x128xi32, #tpu.memory_space<hbm>> -> memref<20x128xi32, #tpu.memory_space<hbm>>
        tpu.enqueue_dma source(%dma_start3A_397 : memref<20x128xi32, #tpu.memory_space<hbm>>) target(%dma_start3A_395 : memref<20x128xi32, #tpu.memory_space<vmem>>) target_semaphore(%arg13 : memref<!tpu.dma_semaphore, #tpu.memory_space<semaphore_mem>>)
      } else {
      }
      %mul3A_294 = arith.constant 20 : i32
      %mul3A_295 = arith.muli %select_n3A_180, %mul3A_294 : i32
      %dma_wait3A_296 = arith.constant 1 : i32
      %dma_wait3A_297 = arith.constant 0 : i32
      %dma_wait3A_298 = arith.constant 0 : i32
      %dma_wait3A_299 = tpu.memref_slice %arg7[%dma_wait3A_296, %dma_wait3A_297, %dma_wait3A_298] : memref<2x20x128xi32, #tpu.memory_space<vmem>> -> memref<1x20x128xi32, #tpu.memory_space<vmem>>
      %dma_wait3A_300 = tpu.memref_squeeze %dma_wait3A_299 : memref<1x20x128xi32, #tpu.memory_space<vmem>> -> memref<20x128xi32, #tpu.memory_space<vmem>>
      %dma_wait3A_301 = arith.constant 0 : i32
      %dma_wait3A_302 = tpu.memref_slice %arg2[%mul3A_295, %dma_wait3A_301] : memref<25000x128xi32, #tpu.memory_space<hbm>> -> memref<20x128xi32, #tpu.memory_space<hbm>>
      %dma_wait3A_303 = arith.constant 0 : i32
      %dma_wait3A_304 = arith.constant 0 : i32
      %dma_wait3A_305 = tpu.memref_slice %arg7[%dma_wait3A_296, %dma_wait3A_303, %dma_wait3A_304] : memref<2x20x128xi32, #tpu.memory_space<vmem>> -> memref<1x20x128xi32, #tpu.memory_space<vmem>>
      %dma_wait3A_306 = tpu.memref_squeeze %dma_wait3A_305 : memref<1x20x128xi32, #tpu.memory_space<vmem>> -> memref<20x128xi32, #tpu.memory_space<vmem>>
      %dma_wait3A_307 = arith.constant 0 : i32
      %dma_wait3A_308 = tpu.memref_slice %arg2[%mul3A_295, %dma_wait3A_307] : memref<25000x128xi32, #tpu.memory_space<hbm>> -> memref<20x128xi32, #tpu.memory_space<hbm>>
      tpu.wait_dma2 semaphore(%arg14 : memref<!tpu.dma_semaphore, #tpu.memory_space<semaphore_mem>>) src(%dma_wait3A_308 : memref<20x128xi32, #tpu.memory_space<hbm>>) dst(%dma_wait3A_306 : memref<20x128xi32, #tpu.memory_space<vmem>>)
      %gt3A_309 = arith.constant 0 : i32
      %gt3A_310 = arith.cmpi sgt, %scan3A_166, %gt3A_309 : i32
      %convert_element_type3A_311 = arith.extui %gt3A_310 : i1 to i32
      %cond3A_312 = arith.constant 0 : i32
      %cond3A_313 = arith.cmpi ne, %convert_element_type3A_311, %cond3A_312 : i32
      scf.if %cond3A_313 {
        %mul3A_383 = arith.constant 2560 : i32
        %mul3A_384 = arith.muli %select_n3A_180, %mul3A_383 : i32
        %mul3A_385 = arith.constant 2560 : i32
        %mul3A_386 = arith.muli %select_n3A_180, %mul3A_385 : i32
        %mul3A_387 = arith.constant 20 : i32
        %mul3A_388 = arith.muli %select_n3A_180, %mul3A_387 : i32
        %mul3A_389 = arith.constant 20 : i32
        %mul3A_390 = arith.muli %select_n3A_180, %mul3A_389 : i32
        %dma_wait3A_391 = arith.constant 1 : i32
        %dma_wait3A_392 = arith.constant 0 : i32
        %dma_wait3A_393 = tpu.memref_slice %arg8[%dma_wait3A_391, %dma_wait3A_392] : memref<2x2560xi32, #tpu.memory_space<vmem>> -> memref<1x2560xi32, #tpu.memory_space<vmem>>
        %dma_wait3A_394 = tpu.memref_squeeze %dma_wait3A_393 : memref<1x2560xi32, #tpu.memory_space<vmem>> -> memref<2560xi32, #tpu.memory_space<vmem>>
        %dma_wait3A_395 = tpu.memref_slice %arg4[%mul3A_384] : memref<3200000xi32, #tpu.memory_space<hbm>> -> memref<2560xi32, #tpu.memory_space<hbm>>
        %dma_wait3A_396 = tpu.memref_slice %arg4[%mul3A_384] : memref<3200000xi32, #tpu.memory_space<hbm>> -> memref<2560xi32, #tpu.memory_space<hbm>>
        %dma_wait3A_397 = arith.constant 0 : i32
        %dma_wait3A_398 = tpu.memref_slice %arg8[%dma_wait3A_391, %dma_wait3A_397] : memref<2x2560xi32, #tpu.memory_space<vmem>> -> memref<1x2560xi32, #tpu.memory_space<vmem>>
        %dma_wait3A_399 = tpu.memref_squeeze %dma_wait3A_398 : memref<1x2560xi32, #tpu.memory_space<vmem>> -> memref<2560xi32, #tpu.memory_space<vmem>>
        tpu.wait_dma2 semaphore(%arg16 : memref<!tpu.dma_semaphore, #tpu.memory_space<semaphore_mem>>) src(%dma_wait3A_399 : memref<2560xi32, #tpu.memory_space<vmem>>) dst(%dma_wait3A_396 : memref<2560xi32, #tpu.memory_space<hbm>>)
        %dma_wait3A_400 = arith.constant 1 : i32
        %dma_wait3A_401 = arith.constant 0 : i32
        %dma_wait3A_402 = tpu.memref_slice %arg9[%dma_wait3A_400, %dma_wait3A_401] : memref<2x2560xi32, #tpu.memory_space<vmem>> -> memref<1x2560xi32, #tpu.memory_space<vmem>>
        %dma_wait3A_403 = tpu.memref_squeeze %dma_wait3A_402 : memref<1x2560xi32, #tpu.memory_space<vmem>> -> memref<2560xi32, #tpu.memory_space<vmem>>
        %dma_wait3A_404 = tpu.memref_slice %arg5[%mul3A_386] : memref<3200000xi32, #tpu.memory_space<hbm>> -> memref<2560xi32, #tpu.memory_space<hbm>>
        %dma_wait3A_405 = tpu.memref_slice %arg5[%mul3A_386] : memref<3200000xi32, #tpu.memory_space<hbm>> -> memref<2560xi32, #tpu.memory_space<hbm>>
        %dma_wait3A_406 = arith.constant 0 : i32
        %dma_wait3A_407 = tpu.memref_slice %arg9[%dma_wait3A_400, %dma_wait3A_406] : memref<2x2560xi32, #tpu.memory_space<vmem>> -> memref<1x2560xi32, #tpu.memory_space<vmem>>
        %dma_wait3A_408 = tpu.memref_squeeze %dma_wait3A_407 : memref<1x2560xi32, #tpu.memory_space<vmem>> -> memref<2560xi32, #tpu.memory_space<vmem>>
        tpu.wait_dma2 semaphore(%arg16 : memref<!tpu.dma_semaphore, #tpu.memory_space<semaphore_mem>>) src(%dma_wait3A_408 : memref<2560xi32, #tpu.memory_space<vmem>>) dst(%dma_wait3A_405 : memref<2560xi32, #tpu.memory_space<hbm>>)
        %dma_wait3A_409 = arith.constant 1 : i32
        %dma_wait3A_410 = arith.constant 0 : i32
        %dma_wait3A_411 = arith.constant 0 : i32
        %dma_wait3A_412 = arith.constant 0 : i32
        %dma_wait3A_413 = arith.constant 0 : i32
        %dma_wait3A_414 = tpu.memref_slice %arg10[%dma_wait3A_409, %dma_wait3A_411, %dma_wait3A_412, %dma_wait3A_413] : memref<2x20x8x128xf32, #tpu.memory_space<vmem>> -> memref<1x20x8x128xf32, #tpu.memory_space<vmem>>
        %dma_wait3A_415 = tpu.memref_squeeze %dma_wait3A_414 : memref<1x20x8x128xf32, #tpu.memory_space<vmem>> -> memref<20x8x128xf32, #tpu.memory_space<vmem>>
        %dma_wait3A_416 = arith.constant 0 : i32
        %dma_wait3A_417 = arith.constant 0 : i32
        %dma_wait3A_418 = tpu.memref_slice %arg6[%dma_wait3A_410, %mul3A_388, %dma_wait3A_416, %dma_wait3A_417] : memref<2x25000x8x128xf32, #tpu.memory_space<hbm>> -> memref<1x20x8x128xf32, #tpu.memory_space<hbm>>
        %dma_wait3A_419 = tpu.memref_squeeze %dma_wait3A_418 : memref<1x20x8x128xf32, #tpu.memory_space<hbm>> -> memref<20x8x128xf32, #tpu.memory_space<hbm>>
        %dma_wait3A_420 = arith.constant 0 : i32
        %dma_wait3A_421 = arith.constant 0 : i32
        %dma_wait3A_422 = tpu.memref_slice %arg6[%dma_wait3A_410, %mul3A_388, %dma_wait3A_420, %dma_wait3A_421] : memref<2x25000x8x128xf32, #tpu.memory_space<hbm>> -> memref<1x20x8x128xf32, #tpu.memory_space<hbm>>
        %dma_wait3A_423 = tpu.memref_squeeze %dma_wait3A_422 : memref<1x20x8x128xf32, #tpu.memory_space<hbm>> -> memref<20x8x128xf32, #tpu.memory_space<hbm>>
        %dma_wait3A_424 = arith.constant 0 : i32
        %dma_wait3A_425 = arith.constant 0 : i32
        %dma_wait3A_426 = arith.constant 0 : i32
        %dma_wait3A_427 = tpu.memref_slice %arg10[%dma_wait3A_409, %dma_wait3A_424, %dma_wait3A_425, %dma_wait3A_426] : memref<2x20x8x128xf32, #tpu.memory_space<vmem>> -> memref<1x20x8x128xf32, #tpu.memory_space<vmem>>
        %dma_wait3A_428 = tpu.memref_squeeze %dma_wait3A_427 : memref<1x20x8x128xf32, #tpu.memory_space<vmem>> -> memref<20x8x128xf32, #tpu.memory_space<vmem>>
        tpu.wait_dma2 semaphore(%arg16 : memref<!tpu.dma_semaphore, #tpu.memory_space<semaphore_mem>>) src(%dma_wait3A_428 : memref<20x8x128xf32, #tpu.memory_space<vmem>>) dst(%dma_wait3A_423 : memref<20x8x128xf32, #tpu.memory_space<hbm>>)
        %dma_wait3A_429 = arith.constant 1 : i32
        %dma_wait3A_430 = arith.constant 1 : i32
        %dma_wait3A_431 = arith.constant 0 : i32
        %dma_wait3A_432 = arith.constant 0 : i32
        %dma_wait3A_433 = arith.constant 0 : i32
        %dma_wait3A_434 = tpu.memref_slice %arg11[%dma_wait3A_429, %dma_wait3A_431, %dma_wait3A_432, %dma_wait3A_433] : memref<2x20x8x128xf32, #tpu.memory_space<vmem>> -> memref<1x20x8x128xf32, #tpu.memory_space<vmem>>
        %dma_wait3A_435 = tpu.memref_squeeze %dma_wait3A_434 : memref<1x20x8x128xf32, #tpu.memory_space<vmem>> -> memref<20x8x128xf32, #tpu.memory_space<vmem>>
        %dma_wait3A_436 = arith.constant 0 : i32
        %dma_wait3A_437 = arith.constant 0 : i32
        %dma_wait3A_438 = tpu.memref_slice %arg6[%dma_wait3A_430, %mul3A_390, %dma_wait3A_436, %dma_wait3A_437] : memref<2x25000x8x128xf32, #tpu.memory_space<hbm>> -> memref<1x20x8x128xf32, #tpu.memory_space<hbm>>
        %dma_wait3A_439 = tpu.memref_squeeze %dma_wait3A_438 : memref<1x20x8x128xf32, #tpu.memory_space<hbm>> -> memref<20x8x128xf32, #tpu.memory_space<hbm>>
        %dma_wait3A_440 = arith.constant 0 : i32
        %dma_wait3A_441 = arith.constant 0 : i32
        %dma_wait3A_442 = tpu.memref_slice %arg6[%dma_wait3A_430, %mul3A_390, %dma_wait3A_440, %dma_wait3A_441] : memref<2x25000x8x128xf32, #tpu.memory_space<hbm>> -> memref<1x20x8x128xf32, #tpu.memory_space<hbm>>
        %dma_wait3A_443 = tpu.memref_squeeze %dma_wait3A_442 : memref<1x20x8x128xf32, #tpu.memory_space<hbm>> -> memref<20x8x128xf32, #tpu.memory_space<hbm>>
        %dma_wait3A_444 = arith.constant 0 : i32
        %dma_wait3A_445 = arith.constant 0 : i32
        %dma_wait3A_446 = arith.constant 0 : i32
        %dma_wait3A_447 = tpu.memref_slice %arg11[%dma_wait3A_429, %dma_wait3A_444, %dma_wait3A_445, %dma_wait3A_446] : memref<2x20x8x128xf32, #tpu.memory_space<vmem>> -> memref<1x20x8x128xf32, #tpu.memory_space<vmem>>
        %dma_wait3A_448 = tpu.memref_squeeze %dma_wait3A_447 : memref<1x20x8x128xf32, #tpu.memory_space<vmem>> -> memref<20x8x128xf32, #tpu.memory_space<vmem>>
        tpu.wait_dma2 semaphore(%arg16 : memref<!tpu.dma_semaphore, #tpu.memory_space<semaphore_mem>>) src(%dma_wait3A_448 : memref<20x8x128xf32, #tpu.memory_space<vmem>>) dst(%dma_wait3A_443 : memref<20x8x128xf32, #tpu.memory_space<hbm>>)
      } else {
      }
      %parallel_loop3A_314 = arith.constant 0 : i32
      %parallel_loop3A_315 = arith.constant 160 : i32
      %parallel_loop3A_316 = arith.constant 1 : i32
      scf.for %parallel_loop3A_383 = %parallel_loop3A_314 to %parallel_loop3A_315 step %parallel_loop3A_316  : i32 {
        %parallel_loop3A_384 = arith.constant 8 : i32
        %parallel_loop3A_385 = arith.divsi %parallel_loop3A_383, %parallel_loop3A_384 : i32
        %parallel_loop3A_386 = arith.constant 0 : i32
        %parallel_loop3A_387 = arith.cmpi sgt, %parallel_loop3A_383, %parallel_loop3A_386 : i32
        %parallel_loop3A_388 = arith.extui %parallel_loop3A_387 : i1 to i32
        %parallel_loop3A_389 = arith.constant 0 : i32
        %parallel_loop3A_390 = arith.cmpi slt, %parallel_loop3A_383, %parallel_loop3A_389 : i32
        %parallel_loop3A_391 = arith.extui %parallel_loop3A_390 : i1 to i32
        %parallel_loop3A_392 = arith.subi %parallel_loop3A_388, %parallel_loop3A_391 : i32
        %parallel_loop3A_393 = arith.constant 0 : i32
        %parallel_loop3A_394 = arith.cmpi sgt, %parallel_loop3A_384, %parallel_loop3A_393 : i32
        %parallel_loop3A_395 = arith.extui %parallel_loop3A_394 : i1 to i32
        %parallel_loop3A_396 = arith.constant 0 : i32
        %parallel_loop3A_397 = arith.cmpi slt, %parallel_loop3A_384, %parallel_loop3A_396 : i32
        %parallel_loop3A_398 = arith.extui %parallel_loop3A_397 : i1 to i32
        %parallel_loop3A_399 = arith.subi %parallel_loop3A_395, %parallel_loop3A_398 : i32
        %parallel_loop3A_400 = arith.cmpi ne, %parallel_loop3A_392, %parallel_loop3A_399 : i32
        %parallel_loop3A_401 = arith.remsi %parallel_loop3A_383, %parallel_loop3A_384 : i32
        %parallel_loop3A_402 = arith.constant 0 : i32
        %parallel_loop3A_403 = arith.cmpi ne, %parallel_loop3A_401, %parallel_loop3A_402 : i32
        %parallel_loop3A_404 = arith.andi %parallel_loop3A_400, %parallel_loop3A_403 : i1
        %parallel_loop3A_405 = arith.constant 1 : i32
        %parallel_loop3A_406 = arith.subi %parallel_loop3A_385, %parallel_loop3A_405 : i32
        %parallel_loop3A_407 = arith.select %parallel_loop3A_404, %parallel_loop3A_406, %parallel_loop3A_385 : i32
        %parallel_loop3A_408 = arith.constant 8 : i32
        %parallel_loop3A_409 = arith.constant 0 : i32
        %parallel_loop3A_410 = arith.cmpi eq, %parallel_loop3A_408, %parallel_loop3A_409 : i32
        %parallel_loop3A_411 = arith.constant 1 : i32
        %parallel_loop3A_412 = arith.select %parallel_loop3A_410, %parallel_loop3A_411, %parallel_loop3A_408 : i32
        %parallel_loop3A_413 = arith.remsi %parallel_loop3A_383, %parallel_loop3A_412 : i32
        %parallel_loop3A_414 = arith.constant 0 : i32
        %parallel_loop3A_415 = arith.cmpi ne, %parallel_loop3A_413, %parallel_loop3A_414 : i32
        %parallel_loop3A_416 = arith.constant 0 : i32
        %parallel_loop3A_417 = arith.cmpi slt, %parallel_loop3A_413, %parallel_loop3A_416 : i32
        %parallel_loop3A_418 = arith.constant 0 : i32
        %parallel_loop3A_419 = arith.cmpi slt, %parallel_loop3A_412, %parallel_loop3A_418 : i32
        %parallel_loop3A_420 = arith.xori %parallel_loop3A_417, %parallel_loop3A_419 : i1
        %parallel_loop3A_421 = arith.andi %parallel_loop3A_420, %parallel_loop3A_415 : i1
        %parallel_loop3A_422 = arith.addi %parallel_loop3A_413, %parallel_loop3A_412 : i32
        %parallel_loop3A_423 = arith.select %parallel_loop3A_421, %parallel_loop3A_422, %parallel_loop3A_413 : i32
        %parallel_loop3A_424 = arith.constant 16 : i32
        %parallel_loop3A_425 = arith.muli %parallel_loop3A_423, %parallel_loop3A_424 : i32
        %parallel_loop3A_426 = arith.constant 1 : i32
        %parallel_loop3A_427 = arith.index_cast %parallel_loop3A_426 : i32 to index
        %parallel_loop3A_428 = arith.index_cast %parallel_loop3A_407 : i32 to index
        %parallel_loop3A_429 = arith.index_cast %parallel_loop3A_425 : i32 to index
        %parallel_loop3A_430 = tpu.vector_load %arg7[%parallel_loop3A_427, %parallel_loop3A_428, %parallel_loop3A_429] {strides = array<i32>} : memref<2x20x128xi32, #tpu.memory_space<vmem>>, vector<16xi32>,
        %parallel_loop3A_431 = arith.constant 16 : i32
        %parallel_loop3A_432 = vector.broadcast %parallel_loop3A_431 : i32 to vector<16xi32>
        %parallel_loop3A_433 = arith.muli %parallel_loop3A_430, %parallel_loop3A_432 : vector<16xi32>
        %parallel_loop3A_434 = arith.constant 0 : i32
        %parallel_loop3A_435 = vector.broadcast %parallel_loop3A_434 : i32 to vector<16xi32>
        %parallel_loop3A_436 = arith.addi %parallel_loop3A_433, %parallel_loop3A_435 : vector<16xi32>
        %parallel_loop3A_437 = tpu.vector_load_idx %arg12[%parallel_loop3A_436] : memref<1376xi32, #tpu.memory_space<vmem>>[vector<16xi32>], vector<16xi32>,
        %parallel_loop3A_438 = vector.bitcast %parallel_loop3A_437 : vector<16xi32> to vector<16xf32>
        %parallel_loop3A_439 = arith.constant 16 : i32
        %parallel_loop3A_440 = arith.muli %parallel_loop3A_423, %parallel_loop3A_439 : i32
        %parallel_loop3A_441 = arith.constant 1 : i32
        %parallel_loop3A_442 = arith.constant 0 : i32
        %parallel_loop3A_443 = arith.index_cast %parallel_loop3A_441 : i32 to index
        %parallel_loop3A_444 = arith.index_cast %parallel_loop3A_407 : i32 to index
        %parallel_loop3A_445 = arith.index_cast %parallel_loop3A_442 : i32 to index
        %parallel_loop3A_446 = arith.index_cast %parallel_loop3A_440 : i32 to index
        %parallel_loop3A_447 = tpu.vector_load %arg10[%parallel_loop3A_443, %parallel_loop3A_444, %parallel_loop3A_445, %parallel_loop3A_446] {strides = array<i32>} : memref<2x20x8x128xf32, #tpu.memory_space<vmem>>, vector<16xf32>,
        tpu.vector_store %arg10[%parallel_loop3A_443, %parallel_loop3A_444, %parallel_loop3A_445, %parallel_loop3A_446], %parallel_loop3A_438 {strides = array<i32>} : memref<2x20x8x128xf32, #tpu.memory_space<vmem>>, vector<16xf32>,
        %parallel_loop3A_448 = arith.constant 1 : i32
        %parallel_loop3A_449 = vector.broadcast %parallel_loop3A_448 : i32 to vector<16xi32>
        %parallel_loop3A_450 = arith.addi %parallel_loop3A_433, %parallel_loop3A_449 : vector<16xi32>
        %parallel_loop3A_451 = tpu.vector_load_idx %arg12[%parallel_loop3A_450] : memref<1376xi32, #tpu.memory_space<vmem>>[vector<16xi32>], vector<16xi32>,
        %parallel_loop3A_452 = vector.bitcast %parallel_loop3A_451 : vector<16xi32> to vector<16xf32>
        %parallel_loop3A_453 = arith.constant 16 : i32
        %parallel_loop3A_454 = arith.muli %parallel_loop3A_423, %parallel_loop3A_453 : i32
        %parallel_loop3A_455 = arith.constant 1 : i32
        %parallel_loop3A_456 = arith.constant 1 : i32
        %parallel_loop3A_457 = arith.index_cast %parallel_loop3A_455 : i32 to index
        %parallel_loop3A_458 = arith.index_cast %parallel_loop3A_407 : i32 to index
        %parallel_loop3A_459 = arith.index_cast %parallel_loop3A_456 : i32 to index
        %parallel_loop3A_460 = arith.index_cast %parallel_loop3A_454 : i32 to index
        %parallel_loop3A_461 = tpu.vector_load %arg10[%parallel_loop3A_457, %parallel_loop3A_458, %parallel_loop3A_459, %parallel_loop3A_460] {strides = array<i32>} : memref<2x20x8x128xf32, #tpu.memory_space<vmem>>, vector<16xf32>,
        tpu.vector_store %arg10[%parallel_loop3A_457, %parallel_loop3A_458, %parallel_loop3A_459, %parallel_loop3A_460], %parallel_loop3A_452 {strides = array<i32>} : memref<2x20x8x128xf32, #tpu.memory_space<vmem>>, vector<16xf32>,
        %parallel_loop3A_462 = arith.constant 2 : i32
        %parallel_loop3A_463 = vector.broadcast %parallel_loop3A_462 : i32 to vector<16xi32>
        %parallel_loop3A_464 = arith.addi %parallel_loop3A_433, %parallel_loop3A_463 : vector<16xi32>
        %parallel_loop3A_465 = tpu.vector_load_idx %arg12[%parallel_loop3A_464] : memref<1376xi32, #tpu.memory_space<vmem>>[vector<16xi32>], vector<16xi32>,
        %parallel_loop3A_466 = vector.bitcast %parallel_loop3A_465 : vector<16xi32> to vector<16xf32>
        %parallel_loop3A_467 = arith.constant 16 : i32
        %parallel_loop3A_468 = arith.muli %parallel_loop3A_423, %parallel_loop3A_467 : i32
        %parallel_loop3A_469 = arith.constant 1 : i32
        %parallel_loop3A_470 = arith.constant 2 : i32
        %parallel_loop3A_471 = arith.index_cast %parallel_loop3A_469 : i32 to index
        %parallel_loop3A_472 = arith.index_cast %parallel_loop3A_407 : i32 to index
        %parallel_loop3A_473 = arith.index_cast %parallel_loop3A_470 : i32 to index
        %parallel_loop3A_474 = arith.index_cast %parallel_loop3A_468 : i32 to index
        %parallel_loop3A_475 = tpu.vector_load %arg10[%parallel_loop3A_471, %parallel_loop3A_472, %parallel_loop3A_473, %parallel_loop3A_474] {strides = array<i32>} : memref<2x20x8x128xf32, #tpu.memory_space<vmem>>, vector<16xf32>,
        tpu.vector_store %arg10[%parallel_loop3A_471, %parallel_loop3A_472, %parallel_loop3A_473, %parallel_loop3A_474], %parallel_loop3A_466 {strides = array<i32>} : memref<2x20x8x128xf32, #tpu.memory_space<vmem>>, vector<16xf32>,
        %parallel_loop3A_476 = arith.constant 3 : i32
        %parallel_loop3A_477 = vector.broadcast %parallel_loop3A_476 : i32 to vector<16xi32>
        %parallel_loop3A_478 = arith.addi %parallel_loop3A_433, %parallel_loop3A_477 : vector<16xi32>
        %parallel_loop3A_479 = tpu.vector_load_idx %arg12[%parallel_loop3A_478] : memref<1376xi32, #tpu.memory_space<vmem>>[vector<16xi32>], vector<16xi32>,
        %parallel_loop3A_480 = vector.bitcast %parallel_loop3A_479 : vector<16xi32> to vector<16xf32>
        %parallel_loop3A_481 = arith.constant 16 : i32
        %parallel_loop3A_482 = arith.muli %parallel_loop3A_423, %parallel_loop3A_481 : i32
        %parallel_loop3A_483 = arith.constant 1 : i32
        %parallel_loop3A_484 = arith.constant 3 : i32
        %parallel_loop3A_485 = arith.index_cast %parallel_loop3A_483 : i32 to index
        %parallel_loop3A_486 = arith.index_cast %parallel_loop3A_407 : i32 to index
        %parallel_loop3A_487 = arith.index_cast %parallel_loop3A_484 : i32 to index
        %parallel_loop3A_488 = arith.index_cast %parallel_loop3A_482 : i32 to index
        %parallel_loop3A_489 = tpu.vector_load %arg10[%parallel_loop3A_485, %parallel_loop3A_486, %parallel_loop3A_487, %parallel_loop3A_488] {strides = array<i32>} : memref<2x20x8x128xf32, #tpu.memory_space<vmem>>, vector<16xf32>,
        tpu.vector_store %arg10[%parallel_loop3A_485, %parallel_loop3A_486, %parallel_loop3A_487, %parallel_loop3A_488], %parallel_loop3A_480 {strides = array<i32>} : memref<2x20x8x128xf32, #tpu.memory_space<vmem>>, vector<16xf32>,
        %parallel_loop3A_490 = arith.constant 4 : i32
        %parallel_loop3A_491 = vector.broadcast %parallel_loop3A_490 : i32 to vector<16xi32>
        %parallel_loop3A_492 = arith.addi %parallel_loop3A_433, %parallel_loop3A_491 : vector<16xi32>
        %parallel_loop3A_493 = tpu.vector_load_idx %arg12[%parallel_loop3A_492] : memref<1376xi32, #tpu.memory_space<vmem>>[vector<16xi32>], vector<16xi32>,
        %parallel_loop3A_494 = vector.bitcast %parallel_loop3A_493 : vector<16xi32> to vector<16xf32>
        %parallel_loop3A_495 = arith.constant 16 : i32
        %parallel_loop3A_496 = arith.muli %parallel_loop3A_423, %parallel_loop3A_495 : i32
        %parallel_loop3A_497 = arith.constant 1 : i32
        %parallel_loop3A_498 = arith.constant 4 : i32
        %parallel_loop3A_499 = arith.index_cast %parallel_loop3A_497 : i32 to index
        %parallel_loop3A_500 = arith.index_cast %parallel_loop3A_407 : i32 to index
        %parallel_loop3A_501 = arith.index_cast %parallel_loop3A_498 : i32 to index
        %parallel_loop3A_502 = arith.index_cast %parallel_loop3A_496 : i32 to index
        %parallel_loop3A_503 = tpu.vector_load %arg10[%parallel_loop3A_499, %parallel_loop3A_500, %parallel_loop3A_501, %parallel_loop3A_502] {strides = array<i32>} : memref<2x20x8x128xf32, #tpu.memory_space<vmem>>, vector<16xf32>,
        tpu.vector_store %arg10[%parallel_loop3A_499, %parallel_loop3A_500, %parallel_loop3A_501, %parallel_loop3A_502], %parallel_loop3A_494 {strides = array<i32>} : memref<2x20x8x128xf32, #tpu.memory_space<vmem>>, vector<16xf32>,
        %parallel_loop3A_504 = arith.constant 5 : i32
        %parallel_loop3A_505 = vector.broadcast %parallel_loop3A_504 : i32 to vector<16xi32>
        %parallel_loop3A_506 = arith.addi %parallel_loop3A_433, %parallel_loop3A_505 : vector<16xi32>
        %parallel_loop3A_507 = tpu.vector_load_idx %arg12[%parallel_loop3A_506] : memref<1376xi32, #tpu.memory_space<vmem>>[vector<16xi32>], vector<16xi32>,
        %parallel_loop3A_508 = vector.bitcast %parallel_loop3A_507 : vector<16xi32> to vector<16xf32>
        %parallel_loop3A_509 = arith.constant 16 : i32
        %parallel_loop3A_510 = arith.muli %parallel_loop3A_423, %parallel_loop3A_509 : i32
        %parallel_loop3A_511 = arith.constant 1 : i32
        %parallel_loop3A_512 = arith.constant 5 : i32
        %parallel_loop3A_513 = arith.index_cast %parallel_loop3A_511 : i32 to index
        %parallel_loop3A_514 = arith.index_cast %parallel_loop3A_407 : i32 to index
        %parallel_loop3A_515 = arith.index_cast %parallel_loop3A_512 : i32 to index
        %parallel_loop3A_516 = arith.index_cast %parallel_loop3A_510 : i32 to index
        %parallel_loop3A_517 = tpu.vector_load %arg10[%parallel_loop3A_513, %parallel_loop3A_514, %parallel_loop3A_515, %parallel_loop3A_516] {strides = array<i32>} : memref<2x20x8x128xf32, #tpu.memory_space<vmem>>, vector<16xf32>,
        tpu.vector_store %arg10[%parallel_loop3A_513, %parallel_loop3A_514, %parallel_loop3A_515, %parallel_loop3A_516], %parallel_loop3A_508 {strides = array<i32>} : memref<2x20x8x128xf32, #tpu.memory_space<vmem>>, vector<16xf32>,
        %parallel_loop3A_518 = arith.constant 6 : i32
        %parallel_loop3A_519 = vector.broadcast %parallel_loop3A_518 : i32 to vector<16xi32>
        %parallel_loop3A_520 = arith.addi %parallel_loop3A_433, %parallel_loop3A_519 : vector<16xi32>
        %parallel_loop3A_521 = tpu.vector_load_idx %arg12[%parallel_loop3A_520] : memref<1376xi32, #tpu.memory_space<vmem>>[vector<16xi32>], vector<16xi32>,
        %parallel_loop3A_522 = vector.bitcast %parallel_loop3A_521 : vector<16xi32> to vector<16xf32>
        %parallel_loop3A_523 = arith.constant 16 : i32
        %parallel_loop3A_524 = arith.muli %parallel_loop3A_423, %parallel_loop3A_523 : i32
        %parallel_loop3A_525 = arith.constant 1 : i32
        %parallel_loop3A_526 = arith.constant 6 : i32
        %parallel_loop3A_527 = arith.index_cast %parallel_loop3A_525 : i32 to index
        %parallel_loop3A_528 = arith.index_cast %parallel_loop3A_407 : i32 to index
        %parallel_loop3A_529 = arith.index_cast %parallel_loop3A_526 : i32 to index
        %parallel_loop3A_530 = arith.index_cast %parallel_loop3A_524 : i32 to index
        %parallel_loop3A_531 = tpu.vector_load %arg10[%parallel_loop3A_527, %parallel_loop3A_528, %parallel_loop3A_529, %parallel_loop3A_530] {strides = array<i32>} : memref<2x20x8x128xf32, #tpu.memory_space<vmem>>, vector<16xf32>,
        tpu.vector_store %arg10[%parallel_loop3A_527, %parallel_loop3A_528, %parallel_loop3A_529, %parallel_loop3A_530], %parallel_loop3A_522 {strides = array<i32>} : memref<2x20x8x128xf32, #tpu.memory_space<vmem>>, vector<16xf32>,
        %parallel_loop3A_532 = arith.constant 7 : i32
        %parallel_loop3A_533 = vector.broadcast %parallel_loop3A_532 : i32 to vector<16xi32>
        %parallel_loop3A_534 = arith.addi %parallel_loop3A_433, %parallel_loop3A_533 : vector<16xi32>
        %parallel_loop3A_535 = tpu.vector_load_idx %arg12[%parallel_loop3A_534] : memref<1376xi32, #tpu.memory_space<vmem>>[vector<16xi32>], vector<16xi32>,
        %parallel_loop3A_536 = vector.bitcast %parallel_loop3A_535 : vector<16xi32> to vector<16xf32>
        %parallel_loop3A_537 = arith.constant 16 : i32
        %parallel_loop3A_538 = arith.muli %parallel_loop3A_423, %parallel_loop3A_537 : i32
        %parallel_loop3A_539 = arith.constant 1 : i32
        %parallel_loop3A_540 = arith.constant 7 : i32
        %parallel_loop3A_541 = arith.index_cast %parallel_loop3A_539 : i32 to index
        %parallel_loop3A_542 = arith.index_cast %parallel_loop3A_407 : i32 to index
        %parallel_loop3A_543 = arith.index_cast %parallel_loop3A_540 : i32 to index
        %parallel_loop3A_544 = arith.index_cast %parallel_loop3A_538 : i32 to index
        %parallel_loop3A_545 = tpu.vector_load %arg10[%parallel_loop3A_541, %parallel_loop3A_542, %parallel_loop3A_543, %parallel_loop3A_544] {strides = array<i32>} : memref<2x20x8x128xf32, #tpu.memory_space<vmem>>, vector<16xf32>,
        tpu.vector_store %arg10[%parallel_loop3A_541, %parallel_loop3A_542, %parallel_loop3A_543, %parallel_loop3A_544], %parallel_loop3A_536 {strides = array<i32>} : memref<2x20x8x128xf32, #tpu.memory_space<vmem>>, vector<16xf32>,
        %parallel_loop3A_546 = arith.constant 8 : i32
        %parallel_loop3A_547 = vector.broadcast %parallel_loop3A_546 : i32 to vector<16xi32>
        %parallel_loop3A_548 = arith.addi %parallel_loop3A_433, %parallel_loop3A_547 : vector<16xi32>
        %parallel_loop3A_549 = tpu.vector_load_idx %arg12[%parallel_loop3A_548] : memref<1376xi32, #tpu.memory_space<vmem>>[vector<16xi32>], vector<16xi32>,
        %parallel_loop3A_550 = vector.bitcast %parallel_loop3A_549 : vector<16xi32> to vector<16xf32>
        %parallel_loop3A_551 = arith.constant 16 : i32
        %parallel_loop3A_552 = arith.muli %parallel_loop3A_423, %parallel_loop3A_551 : i32
        %parallel_loop3A_553 = arith.constant 1 : i32
        %parallel_loop3A_554 = arith.constant 0 : i32
        %parallel_loop3A_555 = arith.index_cast %parallel_loop3A_553 : i32 to index
        %parallel_loop3A_556 = arith.index_cast %parallel_loop3A_407 : i32 to index
        %parallel_loop3A_557 = arith.index_cast %parallel_loop3A_554 : i32 to index
        %parallel_loop3A_558 = arith.index_cast %parallel_loop3A_552 : i32 to index
        %parallel_loop3A_559 = tpu.vector_load %arg11[%parallel_loop3A_555, %parallel_loop3A_556, %parallel_loop3A_557, %parallel_loop3A_558] {strides = array<i32>} : memref<2x20x8x128xf32, #tpu.memory_space<vmem>>, vector<16xf32>,
        tpu.vector_store %arg11[%parallel_loop3A_555, %parallel_loop3A_556, %parallel_loop3A_557, %parallel_loop3A_558], %parallel_loop3A_550 {strides = array<i32>} : memref<2x20x8x128xf32, #tpu.memory_space<vmem>>, vector<16xf32>,
        %parallel_loop3A_560 = arith.constant 9 : i32
        %parallel_loop3A_561 = vector.broadcast %parallel_loop3A_560 : i32 to vector<16xi32>
        %parallel_loop3A_562 = arith.addi %parallel_loop3A_433, %parallel_loop3A_561 : vector<16xi32>
        %parallel_loop3A_563 = tpu.vector_load_idx %arg12[%parallel_loop3A_562] : memref<1376xi32, #tpu.memory_space<vmem>>[vector<16xi32>], vector<16xi32>,
        %parallel_loop3A_564 = vector.bitcast %parallel_loop3A_563 : vector<16xi32> to vector<16xf32>
        %parallel_loop3A_565 = arith.constant 16 : i32
        %parallel_loop3A_566 = arith.muli %parallel_loop3A_423, %parallel_loop3A_565 : i32
        %parallel_loop3A_567 = arith.constant 1 : i32
        %parallel_loop3A_568 = arith.constant 1 : i32
        %parallel_loop3A_569 = arith.index_cast %parallel_loop3A_567 : i32 to index
        %parallel_loop3A_570 = arith.index_cast %parallel_loop3A_407 : i32 to index
        %parallel_loop3A_571 = arith.index_cast %parallel_loop3A_568 : i32 to index
        %parallel_loop3A_572 = arith.index_cast %parallel_loop3A_566 : i32 to index
        %parallel_loop3A_573 = tpu.vector_load %arg11[%parallel_loop3A_569, %parallel_loop3A_570, %parallel_loop3A_571, %parallel_loop3A_572] {strides = array<i32>} : memref<2x20x8x128xf32, #tpu.memory_space<vmem>>, vector<16xf32>,
        tpu.vector_store %arg11[%parallel_loop3A_569, %parallel_loop3A_570, %parallel_loop3A_571, %parallel_loop3A_572], %parallel_loop3A_564 {strides = array<i32>} : memref<2x20x8x128xf32, #tpu.memory_space<vmem>>, vector<16xf32>,
        %parallel_loop3A_574 = arith.constant 10 : i32
        %parallel_loop3A_575 = vector.broadcast %parallel_loop3A_574 : i32 to vector<16xi32>
        %parallel_loop3A_576 = arith.addi %parallel_loop3A_433, %parallel_loop3A_575 : vector<16xi32>
        %parallel_loop3A_577 = tpu.vector_load_idx %arg12[%parallel_loop3A_576] : memref<1376xi32, #tpu.memory_space<vmem>>[vector<16xi32>], vector<16xi32>,
        %parallel_loop3A_578 = vector.bitcast %parallel_loop3A_577 : vector<16xi32> to vector<16xf32>
        %parallel_loop3A_579 = arith.constant 16 : i32
        %parallel_loop3A_580 = arith.muli %parallel_loop3A_423, %parallel_loop3A_579 : i32
        %parallel_loop3A_581 = arith.constant 1 : i32
        %parallel_loop3A_582 = arith.constant 2 : i32
        %parallel_loop3A_583 = arith.index_cast %parallel_loop3A_581 : i32 to index
        %parallel_loop3A_584 = arith.index_cast %parallel_loop3A_407 : i32 to index
        %parallel_loop3A_585 = arith.index_cast %parallel_loop3A_582 : i32 to index
        %parallel_loop3A_586 = arith.index_cast %parallel_loop3A_580 : i32 to index
        %parallel_loop3A_587 = tpu.vector_load %arg11[%parallel_loop3A_583, %parallel_loop3A_584, %parallel_loop3A_585, %parallel_loop3A_586] {strides = array<i32>} : memref<2x20x8x128xf32, #tpu.memory_space<vmem>>, vector<16xf32>,
        tpu.vector_store %arg11[%parallel_loop3A_583, %parallel_loop3A_584, %parallel_loop3A_585, %parallel_loop3A_586], %parallel_loop3A_578 {strides = array<i32>} : memref<2x20x8x128xf32, #tpu.memory_space<vmem>>, vector<16xf32>,
        %parallel_loop3A_588 = arith.constant 11 : i32
        %parallel_loop3A_589 = vector.broadcast %parallel_loop3A_588 : i32 to vector<16xi32>
        %parallel_loop3A_590 = arith.addi %parallel_loop3A_433, %parallel_loop3A_589 : vector<16xi32>
        %parallel_loop3A_591 = tpu.vector_load_idx %arg12[%parallel_loop3A_590] : memref<1376xi32, #tpu.memory_space<vmem>>[vector<16xi32>], vector<16xi32>,
        %parallel_loop3A_592 = vector.bitcast %parallel_loop3A_591 : vector<16xi32> to vector<16xf32>
        %parallel_loop3A_593 = arith.constant 16 : i32
        %parallel_loop3A_594 = arith.muli %parallel_loop3A_423, %parallel_loop3A_593 : i32
        %parallel_loop3A_595 = arith.constant 1 : i32
        %parallel_loop3A_596 = arith.constant 3 : i32
        %parallel_loop3A_597 = arith.index_cast %parallel_loop3A_595 : i32 to index
        %parallel_loop3A_598 = arith.index_cast %parallel_loop3A_407 : i32 to index
        %parallel_loop3A_599 = arith.index_cast %parallel_loop3A_596 : i32 to index
        %parallel_loop3A_600 = arith.index_cast %parallel_loop3A_594 : i32 to index
        %parallel_loop3A_601 = tpu.vector_load %arg11[%parallel_loop3A_597, %parallel_loop3A_598, %parallel_loop3A_599, %parallel_loop3A_600] {strides = array<i32>} : memref<2x20x8x128xf32, #tpu.memory_space<vmem>>, vector<16xf32>,
        tpu.vector_store %arg11[%parallel_loop3A_597, %parallel_loop3A_598, %parallel_loop3A_599, %parallel_loop3A_600], %parallel_loop3A_592 {strides = array<i32>} : memref<2x20x8x128xf32, #tpu.memory_space<vmem>>, vector<16xf32>,
        %parallel_loop3A_602 = arith.constant 12 : i32
        %parallel_loop3A_603 = vector.broadcast %parallel_loop3A_602 : i32 to vector<16xi32>
        %parallel_loop3A_604 = arith.addi %parallel_loop3A_433, %parallel_loop3A_603 : vector<16xi32>
        %parallel_loop3A_605 = tpu.vector_load_idx %arg12[%parallel_loop3A_604] : memref<1376xi32, #tpu.memory_space<vmem>>[vector<16xi32>], vector<16xi32>,
        %parallel_loop3A_606 = vector.bitcast %parallel_loop3A_605 : vector<16xi32> to vector<16xf32>
        %parallel_loop3A_607 = arith.constant 16 : i32
        %parallel_loop3A_608 = arith.muli %parallel_loop3A_423, %parallel_loop3A_607 : i32
        %parallel_loop3A_609 = arith.constant 1 : i32
        %parallel_loop3A_610 = arith.constant 4 : i32
        %parallel_loop3A_611 = arith.index_cast %parallel_loop3A_609 : i32 to index
        %parallel_loop3A_612 = arith.index_cast %parallel_loop3A_407 : i32 to index
        %parallel_loop3A_613 = arith.index_cast %parallel_loop3A_610 : i32 to index
        %parallel_loop3A_614 = arith.index_cast %parallel_loop3A_608 : i32 to index
        %parallel_loop3A_615 = tpu.vector_load %arg11[%parallel_loop3A_611, %parallel_loop3A_612, %parallel_loop3A_613, %parallel_loop3A_614] {strides = array<i32>} : memref<2x20x8x128xf32, #tpu.memory_space<vmem>>, vector<16xf32>,
        tpu.vector_store %arg11[%parallel_loop3A_611, %parallel_loop3A_612, %parallel_loop3A_613, %parallel_loop3A_614], %parallel_loop3A_606 {strides = array<i32>} : memref<2x20x8x128xf32, #tpu.memory_space<vmem>>, vector<16xf32>,
        %parallel_loop3A_616 = arith.constant 13 : i32
        %parallel_loop3A_617 = vector.broadcast %parallel_loop3A_616 : i32 to vector<16xi32>
        %parallel_loop3A_618 = arith.addi %parallel_loop3A_433, %parallel_loop3A_617 : vector<16xi32>
        %parallel_loop3A_619 = tpu.vector_load_idx %arg12[%parallel_loop3A_618] : memref<1376xi32, #tpu.memory_space<vmem>>[vector<16xi32>], vector<16xi32>,
        %parallel_loop3A_620 = vector.bitcast %parallel_loop3A_619 : vector<16xi32> to vector<16xf32>
        %parallel_loop3A_621 = arith.constant 16 : i32
        %parallel_loop3A_622 = arith.muli %parallel_loop3A_423, %parallel_loop3A_621 : i32
        %parallel_loop3A_623 = arith.constant 1 : i32
        %parallel_loop3A_624 = arith.constant 5 : i32
        %parallel_loop3A_625 = arith.index_cast %parallel_loop3A_623 : i32 to index
        %parallel_loop3A_626 = arith.index_cast %parallel_loop3A_407 : i32 to index
        %parallel_loop3A_627 = arith.index_cast %parallel_loop3A_624 : i32 to index
        %parallel_loop3A_628 = arith.index_cast %parallel_loop3A_622 : i32 to index
        %parallel_loop3A_629 = tpu.vector_load %arg11[%parallel_loop3A_625, %parallel_loop3A_626, %parallel_loop3A_627, %parallel_loop3A_628] {strides = array<i32>} : memref<2x20x8x128xf32, #tpu.memory_space<vmem>>, vector<16xf32>,
        tpu.vector_store %arg11[%parallel_loop3A_625, %parallel_loop3A_626, %parallel_loop3A_627, %parallel_loop3A_628], %parallel_loop3A_620 {strides = array<i32>} : memref<2x20x8x128xf32, #tpu.memory_space<vmem>>, vector<16xf32>,
        %parallel_loop3A_630 = arith.constant 14 : i32
        %parallel_loop3A_631 = vector.broadcast %parallel_loop3A_630 : i32 to vector<16xi32>
        %parallel_loop3A_632 = arith.addi %parallel_loop3A_433, %parallel_loop3A_631 : vector<16xi32>
        %parallel_loop3A_633 = tpu.vector_load_idx %arg12[%parallel_loop3A_632] : memref<1376xi32, #tpu.memory_space<vmem>>[vector<16xi32>], vector<16xi32>,
        %parallel_loop3A_634 = arith.constant 16 : i32
        %parallel_loop3A_635 = arith.muli %parallel_loop3A_383, %parallel_loop3A_634 : i32
        %parallel_loop3A_636 = arith.constant 1 : i32
        %parallel_loop3A_637 = arith.index_cast %parallel_loop3A_636 : i32 to index
        %parallel_loop3A_638 = arith.index_cast %parallel_loop3A_635 : i32 to index
        %parallel_loop3A_639 = tpu.vector_load %arg8[%parallel_loop3A_637, %parallel_loop3A_638] {strides = array<i32>} : memref<2x2560xi32, #tpu.memory_space<vmem>>, vector<16xi32>,
        tpu.vector_store %arg8[%parallel_loop3A_637, %parallel_loop3A_638], %parallel_loop3A_633 {strides = array<i32>} : memref<2x2560xi32, #tpu.memory_space<vmem>>, vector<16xi32>,
        %parallel_loop3A_640 = arith.constant 14 : i32
        %parallel_loop3A_641 = vector.broadcast %parallel_loop3A_640 : i32 to vector<16xi32>
        %parallel_loop3A_642 = arith.addi %parallel_loop3A_433, %parallel_loop3A_641 : vector<16xi32>
        %parallel_loop3A_643 = arith.constant 1 : i32
        %parallel_loop3A_644 = vector.broadcast %parallel_loop3A_643 : i32 to vector<16xi32>
        %parallel_loop3A_645 = arith.addi %parallel_loop3A_642, %parallel_loop3A_644 : vector<16xi32>
        %parallel_loop3A_646 = tpu.vector_load_idx %arg12[%parallel_loop3A_645] : memref<1376xi32, #tpu.memory_space<vmem>>[vector<16xi32>], vector<16xi32>,
        %parallel_loop3A_647 = arith.constant 16 : i32
        %parallel_loop3A_648 = arith.muli %parallel_loop3A_383, %parallel_loop3A_647 : i32
        %parallel_loop3A_649 = arith.constant 1 : i32
        %parallel_loop3A_650 = arith.index_cast %parallel_loop3A_649 : i32 to index
        %parallel_loop3A_651 = arith.index_cast %parallel_loop3A_648 : i32 to index
        %parallel_loop3A_652 = tpu.vector_load %arg9[%parallel_loop3A_650, %parallel_loop3A_651] {strides = array<i32>} : memref<2x2560xi32, #tpu.memory_space<vmem>>, vector<16xi32>,
        tpu.vector_store %arg9[%parallel_loop3A_650, %parallel_loop3A_651], %parallel_loop3A_646 {strides = array<i32>} : memref<2x2560xi32, #tpu.memory_space<vmem>>, vector<16xi32>,
      } {sc.loop_unroll_factor = 1 : i64, sc.parallel_access}
      %mul3A_317 = arith.constant 2560 : i32
      %mul3A_318 = arith.muli %select_n3A_180, %mul3A_317 : i32
      %mul3A_319 = arith.constant 2560 : i32
      %mul3A_320 = arith.muli %select_n3A_180, %mul3A_319 : i32
      %mul3A_321 = arith.constant 20 : i32
      %mul3A_322 = arith.muli %select_n3A_180, %mul3A_321 : i32
      %mul3A_323 = arith.constant 20 : i32
      %mul3A_324 = arith.muli %select_n3A_180, %mul3A_323 : i32
      %dma_start3A_325 = arith.constant 1 : i32
      %dma_start3A_326 = arith.constant 0 : i32
      %dma_start3A_327 = tpu.memref_slice %arg8[%dma_start3A_325, %dma_start3A_326] : memref<2x2560xi32, #tpu.memory_space<vmem>> -> memref<1x2560xi32, #tpu.memory_space<vmem>>
      %dma_start3A_328 = tpu.memref_squeeze %dma_start3A_327 : memref<1x2560xi32, #tpu.memory_space<vmem>> -> memref<2560xi32, #tpu.memory_space<vmem>>
      %dma_start3A_329 = tpu.memref_slice %arg4[%mul3A_318] : memref<3200000xi32, #tpu.memory_space<hbm>> -> memref<2560xi32, #tpu.memory_space<hbm>>
      %dma_start3A_330 = tpu.memref_slice %arg4[%mul3A_318] : memref<3200000xi32, #tpu.memory_space<hbm>> -> memref<2560xi32, #tpu.memory_space<hbm>>
      %dma_start3A_331 = arith.constant 0 : i32
      %dma_start3A_332 = tpu.memref_slice %arg8[%dma_start3A_325, %dma_start3A_331] : memref<2x2560xi32, #tpu.memory_space<vmem>> -> memref<1x2560xi32, #tpu.memory_space<vmem>>
      %dma_start3A_333 = tpu.memref_squeeze %dma_start3A_332 : memref<1x2560xi32, #tpu.memory_space<vmem>> -> memref<2560xi32, #tpu.memory_space<vmem>>
      tpu.enqueue_dma source(%dma_start3A_333 : memref<2560xi32, #tpu.memory_space<vmem>>) target(%dma_start3A_330 : memref<2560xi32, #tpu.memory_space<hbm>>) target_semaphore(%arg16 : memref<!tpu.dma_semaphore, #tpu.memory_space<semaphore_mem>>)
      %dma_start3A_334 = arith.constant 1 : i32
      %dma_start3A_335 = arith.constant 0 : i32
      %dma_start3A_336 = tpu.memref_slice %arg9[%dma_start3A_334, %dma_start3A_335] : memref<2x2560xi32, #tpu.memory_space<vmem>> -> memref<1x2560xi32, #tpu.memory_space<vmem>>
      %dma_start3A_337 = tpu.memref_squeeze %dma_start3A_336 : memref<1x2560xi32, #tpu.memory_space<vmem>> -> memref<2560xi32, #tpu.memory_space<vmem>>
      %dma_start3A_338 = tpu.memref_slice %arg5[%mul3A_320] : memref<3200000xi32, #tpu.memory_space<hbm>> -> memref<2560xi32, #tpu.memory_space<hbm>>
      %dma_start3A_339 = tpu.memref_slice %arg5[%mul3A_320] : memref<3200000xi32, #tpu.memory_space<hbm>> -> memref<2560xi32, #tpu.memory_space<hbm>>
      %dma_start3A_340 = arith.constant 0 : i32
      %dma_start3A_341 = tpu.memref_slice %arg9[%dma_start3A_334, %dma_start3A_340] : memref<2x2560xi32, #tpu.memory_space<vmem>> -> memref<1x2560xi32, #tpu.memory_space<vmem>>
      %dma_start3A_342 = tpu.memref_squeeze %dma_start3A_341 : memref<1x2560xi32, #tpu.memory_space<vmem>> -> memref<2560xi32, #tpu.memory_space<vmem>>
      tpu.enqueue_dma source(%dma_start3A_342 : memref<2560xi32, #tpu.memory_space<vmem>>) target(%dma_start3A_339 : memref<2560xi32, #tpu.memory_space<hbm>>) target_semaphore(%arg16 : memref<!tpu.dma_semaphore, #tpu.memory_space<semaphore_mem>>)
      %dma_start3A_343 = arith.constant 1 : i32
      %dma_start3A_344 = arith.constant 0 : i32
      %dma_start3A_345 = arith.constant 0 : i32
      %dma_start3A_346 = arith.constant 0 : i32
      %dma_start3A_347 = arith.constant 0 : i32
      %dma_start3A_348 = tpu.memref_slice %arg10[%dma_start3A_343, %dma_start3A_345, %dma_start3A_346, %dma_start3A_347] : memref<2x20x8x128xf32, #tpu.memory_space<vmem>> -> memref<1x20x8x128xf32, #tpu.memory_space<vmem>>
      %dma_start3A_349 = tpu.memref_squeeze %dma_start3A_348 : memref<1x20x8x128xf32, #tpu.memory_space<vmem>> -> memref<20x8x128xf32, #tpu.memory_space<vmem>>
      %dma_start3A_350 = arith.constant 0 : i32
      %dma_start3A_351 = arith.constant 0 : i32
      %dma_start3A_352 = tpu.memref_slice %arg6[%dma_start3A_344, %mul3A_322, %dma_start3A_350, %dma_start3A_351] : memref<2x25000x8x128xf32, #tpu.memory_space<hbm>> -> memref<1x20x8x128xf32, #tpu.memory_space<hbm>>
      %dma_start3A_353 = tpu.memref_squeeze %dma_start3A_352 : memref<1x20x8x128xf32, #tpu.memory_space<hbm>> -> memref<20x8x128xf32, #tpu.memory_space<hbm>>
      %dma_start3A_354 = arith.constant 0 : i32
      %dma_start3A_355 = arith.constant 0 : i32
      %dma_start3A_356 = tpu.memref_slice %arg6[%dma_start3A_344, %mul3A_322, %dma_start3A_354, %dma_start3A_355] : memref<2x25000x8x128xf32, #tpu.memory_space<hbm>> -> memref<1x20x8x128xf32, #tpu.memory_space<hbm>>
      %dma_start3A_357 = tpu.memref_squeeze %dma_start3A_356 : memref<1x20x8x128xf32, #tpu.memory_space<hbm>> -> memref<20x8x128xf32, #tpu.memory_space<hbm>>
      %dma_start3A_358 = arith.constant 0 : i32
      %dma_start3A_359 = arith.constant 0 : i32
      %dma_start3A_360 = arith.constant 0 : i32
      %dma_start3A_361 = tpu.memref_slice %arg10[%dma_start3A_343, %dma_start3A_358, %dma_start3A_359, %dma_start3A_360] : memref<2x20x8x128xf32, #tpu.memory_space<vmem>> -> memref<1x20x8x128xf32, #tpu.memory_space<vmem>>
      %dma_start3A_362 = tpu.memref_squeeze %dma_start3A_361 : memref<1x20x8x128xf32, #tpu.memory_space<vmem>> -> memref<20x8x128xf32, #tpu.memory_space<vmem>>
      tpu.enqueue_dma source(%dma_start3A_362 : memref<20x8x128xf32, #tpu.memory_space<vmem>>) target(%dma_start3A_357 : memref<20x8x128xf32, #tpu.memory_space<hbm>>) target_semaphore(%arg16 : memref<!tpu.dma_semaphore, #tpu.memory_space<semaphore_mem>>)
      %dma_start3A_363 = arith.constant 1 : i32
      %dma_start3A_364 = arith.constant 1 : i32
      %dma_start3A_365 = arith.constant 0 : i32
      %dma_start3A_366 = arith.constant 0 : i32
      %dma_start3A_367 = arith.constant 0 : i32
      %dma_start3A_368 = tpu.memref_slice %arg11[%dma_start3A_363, %dma_start3A_365, %dma_start3A_366, %dma_start3A_367] : memref<2x20x8x128xf32, #tpu.memory_space<vmem>> -> memref<1x20x8x128xf32, #tpu.memory_space<vmem>>
      %dma_start3A_369 = tpu.memref_squeeze %dma_start3A_368 : memref<1x20x8x128xf32, #tpu.memory_space<vmem>> -> memref<20x8x128xf32, #tpu.memory_space<vmem>>
      %dma_start3A_370 = arith.constant 0 : i32
      %dma_start3A_371 = arith.constant 0 : i32
      %dma_start3A_372 = tpu.memref_slice %arg6[%dma_start3A_364, %mul3A_324, %dma_start3A_370, %dma_start3A_371] : memref<2x25000x8x128xf32, #tpu.memory_space<hbm>> -> memref<1x20x8x128xf32, #tpu.memory_space<hbm>>
      %dma_start3A_373 = tpu.memref_squeeze %dma_start3A_372 : memref<1x20x8x128xf32, #tpu.memory_space<hbm>> -> memref<20x8x128xf32, #tpu.memory_space<hbm>>
      %dma_start3A_374 = arith.constant 0 : i32
      %dma_start3A_375 = arith.constant 0 : i32
      %dma_start3A_376 = tpu.memref_slice %arg6[%dma_start3A_364, %mul3A_324, %dma_start3A_374, %dma_start3A_375] : memref<2x25000x8x128xf32, #tpu.memory_space<hbm>> -> memref<1x20x8x128xf32, #tpu.memory_space<hbm>>
      %dma_start3A_377 = tpu.memref_squeeze %dma_start3A_376 : memref<1x20x8x128xf32, #tpu.memory_space<hbm>> -> memref<20x8x128xf32, #tpu.memory_space<hbm>>
      %dma_start3A_378 = arith.constant 0 : i32
      %dma_start3A_379 = arith.constant 0 : i32
      %dma_start3A_380 = arith.constant 0 : i32
      %dma_start3A_381 = tpu.memref_slice %arg11[%dma_start3A_363, %dma_start3A_378, %dma_start3A_379, %dma_start3A_380] : memref<2x20x8x128xf32, #tpu.memory_space<vmem>> -> memref<1x20x8x128xf32, #tpu.memory_space<vmem>>
      %dma_start3A_382 = tpu.memref_squeeze %dma_start3A_381 : memref<1x20x8x128xf32, #tpu.memory_space<vmem>> -> memref<20x8x128xf32, #tpu.memory_space<vmem>>
      tpu.enqueue_dma source(%dma_start3A_382 : memref<20x8x128xf32, #tpu.memory_space<vmem>>) target(%dma_start3A_377 : memref<20x8x128xf32, #tpu.memory_space<hbm>>) target_semaphore(%arg16 : memref<!tpu.dma_semaphore, #tpu.memory_space<semaphore_mem>>)
    }
    %scan3A_24 = arith.constant 20 : i32
    %add3A_25 = arith.constant 38 : i32
    %add3A_26 = arith.addi %mul3A_2, %add3A_25 : i32
    %lt3A_27 = arith.constant 1250 : i32
    %lt3A_28 = arith.cmpi slt, %add3A_26, %lt3A_27 : i32
    %select_n3A_29 = arith.select %lt3A_28, %add3A_26, %mul3A_2 : i32
    %mul3A_30 = arith.constant 2560 : i32
    %mul3A_31 = arith.muli %select_n3A_29, %mul3A_30 : i32
    %mul3A_32 = arith.constant 2560 : i32
    %mul3A_33 = arith.muli %select_n3A_29, %mul3A_32 : i32
    %mul3A_34 = arith.constant 20 : i32
    %mul3A_35 = arith.muli %select_n3A_29, %mul3A_34 : i32
    %mul3A_36 = arith.constant 20 : i32
    %mul3A_37 = arith.muli %select_n3A_29, %mul3A_36 : i32
    %dma_wait3A = arith.constant 0 : i32
    %dma_wait3A_38 = arith.constant 0 : i32
    %dma_wait3A_39 = tpu.memref_slice %arg8[%dma_wait3A, %dma_wait3A_38] : memref<2x2560xi32, #tpu.memory_space<vmem>> -> memref<1x2560xi32, #tpu.memory_space<vmem>>
    %dma_wait3A_40 = tpu.memref_squeeze %dma_wait3A_39 : memref<1x2560xi32, #tpu.memory_space<vmem>> -> memref<2560xi32, #tpu.memory_space<vmem>>
    %dma_wait3A_41 = tpu.memref_slice %arg4[%mul3A_31] : memref<3200000xi32, #tpu.memory_space<hbm>> -> memref<2560xi32, #tpu.memory_space<hbm>>
    %dma_wait3A_42 = tpu.memref_slice %arg4[%mul3A_31] : memref<3200000xi32, #tpu.memory_space<hbm>> -> memref<2560xi32, #tpu.memory_space<hbm>>
    %dma_wait3A_43 = arith.constant 0 : i32
    %dma_wait3A_44 = tpu.memref_slice %arg8[%dma_wait3A, %dma_wait3A_43] : memref<2x2560xi32, #tpu.memory_space<vmem>> -> memref<1x2560xi32, #tpu.memory_space<vmem>>
    %dma_wait3A_45 = tpu.memref_squeeze %dma_wait3A_44 : memref<1x2560xi32, #tpu.memory_space<vmem>> -> memref<2560xi32, #tpu.memory_space<vmem>>
    tpu.wait_dma2 semaphore(%arg15 : memref<!tpu.dma_semaphore, #tpu.memory_space<semaphore_mem>>) src(%dma_wait3A_45 : memref<2560xi32, #tpu.memory_space<vmem>>) dst(%dma_wait3A_42 : memref<2560xi32, #tpu.memory_space<hbm>>)
    %dma_wait3A_46 = arith.constant 0 : i32
    %dma_wait3A_47 = arith.constant 0 : i32
    %dma_wait3A_48 = tpu.memref_slice %arg9[%dma_wait3A_46, %dma_wait3A_47] : memref<2x2560xi32, #tpu.memory_space<vmem>> -> memref<1x2560xi32, #tpu.memory_space<vmem>>
    %dma_wait3A_49 = tpu.memref_squeeze %dma_wait3A_48 : memref<1x2560xi32, #tpu.memory_space<vmem>> -> memref<2560xi32, #tpu.memory_space<vmem>>
    %dma_wait3A_50 = tpu.memref_slice %arg5[%mul3A_33] : memref<3200000xi32, #tpu.memory_space<hbm>> -> memref<2560xi32, #tpu.memory_space<hbm>>
    %dma_wait3A_51 = tpu.memref_slice %arg5[%mul3A_33] : memref<3200000xi32, #tpu.memory_space<hbm>> -> memref<2560xi32, #tpu.memory_space<hbm>>
    %dma_wait3A_52 = arith.constant 0 : i32
    %dma_wait3A_53 = tpu.memref_slice %arg9[%dma_wait3A_46, %dma_wait3A_52] : memref<2x2560xi32, #tpu.memory_space<vmem>> -> memref<1x2560xi32, #tpu.memory_space<vmem>>
    %dma_wait3A_54 = tpu.memref_squeeze %dma_wait3A_53 : memref<1x2560xi32, #tpu.memory_space<vmem>> -> memref<2560xi32, #tpu.memory_space<vmem>>
    tpu.wait_dma2 semaphore(%arg15 : memref<!tpu.dma_semaphore, #tpu.memory_space<semaphore_mem>>) src(%dma_wait3A_54 : memref<2560xi32, #tpu.memory_space<vmem>>) dst(%dma_wait3A_51 : memref<2560xi32, #tpu.memory_space<hbm>>)
    %dma_wait3A_55 = arith.constant 0 : i32
    %dma_wait3A_56 = arith.constant 0 : i32
    %dma_wait3A_57 = arith.constant 0 : i32
    %dma_wait3A_58 = arith.constant 0 : i32
    %dma_wait3A_59 = arith.constant 0 : i32
    %dma_wait3A_60 = tpu.memref_slice %arg10[%dma_wait3A_55, %dma_wait3A_57, %dma_wait3A_58, %dma_wait3A_59] : memref<2x20x8x128xf32, #tpu.memory_space<vmem>> -> memref<1x20x8x128xf32, #tpu.memory_space<vmem>>
    %dma_wait3A_61 = tpu.memref_squeeze %dma_wait3A_60 : memref<1x20x8x128xf32, #tpu.memory_space<vmem>> -> memref<20x8x128xf32, #tpu.memory_space<vmem>>
    %dma_wait3A_62 = arith.constant 0 : i32
    %dma_wait3A_63 = arith.constant 0 : i32
    %dma_wait3A_64 = tpu.memref_slice %arg6[%dma_wait3A_56, %mul3A_35, %dma_wait3A_62, %dma_wait3A_63] : memref<2x25000x8x128xf32, #tpu.memory_space<hbm>> -> memref<1x20x8x128xf32, #tpu.memory_space<hbm>>
    %dma_wait3A_65 = tpu.memref_squeeze %dma_wait3A_64 : memref<1x20x8x128xf32, #tpu.memory_space<hbm>> -> memref<20x8x128xf32, #tpu.memory_space<hbm>>
    %dma_wait3A_66 = arith.constant 0 : i32
    %dma_wait3A_67 = arith.constant 0 : i32
    %dma_wait3A_68 = tpu.memref_slice %arg6[%dma_wait3A_56, %mul3A_35, %dma_wait3A_66, %dma_wait3A_67] : memref<2x25000x8x128xf32, #tpu.memory_space<hbm>> -> memref<1x20x8x128xf32, #tpu.memory_space<hbm>>
    %dma_wait3A_69 = tpu.memref_squeeze %dma_wait3A_68 : memref<1x20x8x128xf32, #tpu.memory_space<hbm>> -> memref<20x8x128xf32, #tpu.memory_space<hbm>>
    %dma_wait3A_70 = arith.constant 0 : i32
    %dma_wait3A_71 = arith.constant 0 : i32
    %dma_wait3A_72 = arith.constant 0 : i32
    %dma_wait3A_73 = tpu.memref_slice %arg10[%dma_wait3A_55, %dma_wait3A_70, %dma_wait3A_71, %dma_wait3A_72] : memref<2x20x8x128xf32, #tpu.memory_space<vmem>> -> memref<1x20x8x128xf32, #tpu.memory_space<vmem>>
    %dma_wait3A_74 = tpu.memref_squeeze %dma_wait3A_73 : memref<1x20x8x128xf32, #tpu.memory_space<vmem>> -> memref<20x8x128xf32, #tpu.memory_space<vmem>>
    tpu.wait_dma2 semaphore(%arg15 : memref<!tpu.dma_semaphore, #tpu.memory_space<semaphore_mem>>) src(%dma_wait3A_74 : memref<20x8x128xf32, #tpu.memory_space<vmem>>) dst(%dma_wait3A_69 : memref<20x8x128xf32, #tpu.memory_space<hbm>>)
    %dma_wait3A_75 = arith.constant 0 : i32
    %dma_wait3A_76 = arith.constant 1 : i32
    %dma_wait3A_77 = arith.constant 0 : i32
    %dma_wait3A_78 = arith.constant 0 : i32
    %dma_wait3A_79 = arith.constant 0 : i32
    %dma_wait3A_80 = tpu.memref_slice %arg11[%dma_wait3A_75, %dma_wait3A_77, %dma_wait3A_78, %dma_wait3A_79] : memref<2x20x8x128xf32, #tpu.memory_space<vmem>> -> memref<1x20x8x128xf32, #tpu.memory_space<vmem>>
    %dma_wait3A_81 = tpu.memref_squeeze %dma_wait3A_80 : memref<1x20x8x128xf32, #tpu.memory_space<vmem>> -> memref<20x8x128xf32, #tpu.memory_space<vmem>>
    %dma_wait3A_82 = arith.constant 0 : i32
    %dma_wait3A_83 = arith.constant 0 : i32
    %dma_wait3A_84 = tpu.memref_slice %arg6[%dma_wait3A_76, %mul3A_37, %dma_wait3A_82, %dma_wait3A_83] : memref<2x25000x8x128xf32, #tpu.memory_space<hbm>> -> memref<1x20x8x128xf32, #tpu.memory_space<hbm>>
    %dma_wait3A_85 = tpu.memref_squeeze %dma_wait3A_84 : memref<1x20x8x128xf32, #tpu.memory_space<hbm>> -> memref<20x8x128xf32, #tpu.memory_space<hbm>>
    %dma_wait3A_86 = arith.constant 0 : i32
    %dma_wait3A_87 = arith.constant 0 : i32
    %dma_wait3A_88 = tpu.memref_slice %arg6[%dma_wait3A_76, %mul3A_37, %dma_wait3A_86, %dma_wait3A_87] : memref<2x25000x8x128xf32, #tpu.memory_space<hbm>> -> memref<1x20x8x128xf32, #tpu.memory_space<hbm>>
    %dma_wait3A_89 = tpu.memref_squeeze %dma_wait3A_88 : memref<1x20x8x128xf32, #tpu.memory_space<hbm>> -> memref<20x8x128xf32, #tpu.memory_space<hbm>>
    %dma_wait3A_90 = arith.constant 0 : i32
    %dma_wait3A_91 = arith.constant 0 : i32
    %dma_wait3A_92 = arith.constant 0 : i32
    %dma_wait3A_93 = tpu.memref_slice %arg11[%dma_wait3A_75, %dma_wait3A_90, %dma_wait3A_91, %dma_wait3A_92] : memref<2x20x8x128xf32, #tpu.memory_space<vmem>> -> memref<1x20x8x128xf32, #tpu.memory_space<vmem>>
    %dma_wait3A_94 = tpu.memref_squeeze %dma_wait3A_93 : memref<1x20x8x128xf32, #tpu.memory_space<vmem>> -> memref<20x8x128xf32, #tpu.memory_space<vmem>>
    tpu.wait_dma2 semaphore(%arg15 : memref<!tpu.dma_semaphore, #tpu.memory_space<semaphore_mem>>) src(%dma_wait3A_94 : memref<20x8x128xf32, #tpu.memory_space<vmem>>) dst(%dma_wait3A_89 : memref<20x8x128xf32, #tpu.memory_space<hbm>>)
    %add3A_95 = arith.constant 39 : i32
    %add3A_96 = arith.addi %mul3A_2, %add3A_95 : i32
    %lt3A_97 = arith.constant 1250 : i32
    %lt3A_98 = arith.cmpi slt, %add3A_96, %lt3A_97 : i32
    %select_n3A_99 = arith.select %lt3A_98, %add3A_96, %mul3A_2 : i32
    %mul3A_100 = arith.constant 2560 : i32
    %mul3A_101 = arith.muli %select_n3A_99, %mul3A_100 : i32
    %mul3A_102 = arith.constant 2560 : i32
    %mul3A_103 = arith.muli %select_n3A_99, %mul3A_102 : i32
    %mul3A_104 = arith.constant 20 : i32
    %mul3A_105 = arith.muli %select_n3A_99, %mul3A_104 : i32
    %mul3A_106 = arith.constant 20 : i32
    %mul3A_107 = arith.muli %select_n3A_99, %mul3A_106 : i32
    %dma_wait3A_108 = arith.constant 1 : i32
    %dma_wait3A_109 = arith.constant 0 : i32
    %dma_wait3A_110 = tpu.memref_slice %arg8[%dma_wait3A_108, %dma_wait3A_109] : memref<2x2560xi32, #tpu.memory_space<vmem>> -> memref<1x2560xi32, #tpu.memory_space<vmem>>
    %dma_wait3A_111 = tpu.memref_squeeze %dma_wait3A_110 : memref<1x2560xi32, #tpu.memory_space<vmem>> -> memref<2560xi32, #tpu.memory_space<vmem>>
    %dma_wait3A_112 = tpu.memref_slice %arg4[%mul3A_101] : memref<3200000xi32, #tpu.memory_space<hbm>> -> memref<2560xi32, #tpu.memory_space<hbm>>
    %dma_wait3A_113 = tpu.memref_slice %arg4[%mul3A_101] : memref<3200000xi32, #tpu.memory_space<hbm>> -> memref<2560xi32, #tpu.memory_space<hbm>>
    %dma_wait3A_114 = arith.constant 0 : i32
    %dma_wait3A_115 = tpu.memref_slice %arg8[%dma_wait3A_108, %dma_wait3A_114] : memref<2x2560xi32, #tpu.memory_space<vmem>> -> memref<1x2560xi32, #tpu.memory_space<vmem>>
    %dma_wait3A_116 = tpu.memref_squeeze %dma_wait3A_115 : memref<1x2560xi32, #tpu.memory_space<vmem>> -> memref<2560xi32, #tpu.memory_space<vmem>>
    tpu.wait_dma2 semaphore(%arg16 : memref<!tpu.dma_semaphore, #tpu.memory_space<semaphore_mem>>) src(%dma_wait3A_116 : memref<2560xi32, #tpu.memory_space<vmem>>) dst(%dma_wait3A_113 : memref<2560xi32, #tpu.memory_space<hbm>>)
    %dma_wait3A_117 = arith.constant 1 : i32
    %dma_wait3A_118 = arith.constant 0 : i32
    %dma_wait3A_119 = tpu.memref_slice %arg9[%dma_wait3A_117, %dma_wait3A_118] : memref<2x2560xi32, #tpu.memory_space<vmem>> -> memref<1x2560xi32, #tpu.memory_space<vmem>>
    %dma_wait3A_120 = tpu.memref_squeeze %dma_wait3A_119 : memref<1x2560xi32, #tpu.memory_space<vmem>> -> memref<2560xi32, #tpu.memory_space<vmem>>
    %dma_wait3A_121 = tpu.memref_slice %arg5[%mul3A_103] : memref<3200000xi32, #tpu.memory_space<hbm>> -> memref<2560xi32, #tpu.memory_space<hbm>>
    %dma_wait3A_122 = tpu.memref_slice %arg5[%mul3A_103] : memref<3200000xi32, #tpu.memory_space<hbm>> -> memref<2560xi32, #tpu.memory_space<hbm>>
    %dma_wait3A_123 = arith.constant 0 : i32
    %dma_wait3A_124 = tpu.memref_slice %arg9[%dma_wait3A_117, %dma_wait3A_123] : memref<2x2560xi32, #tpu.memory_space<vmem>> -> memref<1x2560xi32, #tpu.memory_space<vmem>>
    %dma_wait3A_125 = tpu.memref_squeeze %dma_wait3A_124 : memref<1x2560xi32, #tpu.memory_space<vmem>> -> memref<2560xi32, #tpu.memory_space<vmem>>
    tpu.wait_dma2 semaphore(%arg16 : memref<!tpu.dma_semaphore, #tpu.memory_space<semaphore_mem>>) src(%dma_wait3A_125 : memref<2560xi32, #tpu.memory_space<vmem>>) dst(%dma_wait3A_122 : memref<2560xi32, #tpu.memory_space<hbm>>)
    %dma_wait3A_126 = arith.constant 1 : i32
    %dma_wait3A_127 = arith.constant 0 : i32
    %dma_wait3A_128 = arith.constant 0 : i32
    %dma_wait3A_129 = arith.constant 0 : i32
    %dma_wait3A_130 = arith.constant 0 : i32
    %dma_wait3A_131 = tpu.memref_slice %arg10[%dma_wait3A_126, %dma_wait3A_128, %dma_wait3A_129, %dma_wait3A_130] : memref<2x20x8x128xf32, #tpu.memory_space<vmem>> -> memref<1x20x8x128xf32, #tpu.memory_space<vmem>>
    %dma_wait3A_132 = tpu.memref_squeeze %dma_wait3A_131 : memref<1x20x8x128xf32, #tpu.memory_space<vmem>> -> memref<20x8x128xf32, #tpu.memory_space<vmem>>
    %dma_wait3A_133 = arith.constant 0 : i32
    %dma_wait3A_134 = arith.constant 0 : i32
    %dma_wait3A_135 = tpu.memref_slice %arg6[%dma_wait3A_127, %mul3A_105, %dma_wait3A_133, %dma_wait3A_134] : memref<2x25000x8x128xf32, #tpu.memory_space<hbm>> -> memref<1x20x8x128xf32, #tpu.memory_space<hbm>>
    %dma_wait3A_136 = tpu.memref_squeeze %dma_wait3A_135 : memref<1x20x8x128xf32, #tpu.memory_space<hbm>> -> memref<20x8x128xf32, #tpu.memory_space<hbm>>
    %dma_wait3A_137 = arith.constant 0 : i32
    %dma_wait3A_138 = arith.constant 0 : i32
    %dma_wait3A_139 = tpu.memref_slice %arg6[%dma_wait3A_127, %mul3A_105, %dma_wait3A_137, %dma_wait3A_138] : memref<2x25000x8x128xf32, #tpu.memory_space<hbm>> -> memref<1x20x8x128xf32, #tpu.memory_space<hbm>>
    %dma_wait3A_140 = tpu.memref_squeeze %dma_wait3A_139 : memref<1x20x8x128xf32, #tpu.memory_space<hbm>> -> memref<20x8x128xf32, #tpu.memory_space<hbm>>
    %dma_wait3A_141 = arith.constant 0 : i32
    %dma_wait3A_142 = arith.constant 0 : i32
    %dma_wait3A_143 = arith.constant 0 : i32
    %dma_wait3A_144 = tpu.memref_slice %arg10[%dma_wait3A_126, %dma_wait3A_141, %dma_wait3A_142, %dma_wait3A_143] : memref<2x20x8x128xf32, #tpu.memory_space<vmem>> -> memref<1x20x8x128xf32, #tpu.memory_space<vmem>>
    %dma_wait3A_145 = tpu.memref_squeeze %dma_wait3A_144 : memref<1x20x8x128xf32, #tpu.memory_space<vmem>> -> memref<20x8x128xf32, #tpu.memory_space<vmem>>
    tpu.wait_dma2 semaphore(%arg16 : memref<!tpu.dma_semaphore, #tpu.memory_space<semaphore_mem>>) src(%dma_wait3A_145 : memref<20x8x128xf32, #tpu.memory_space<vmem>>) dst(%dma_wait3A_140 : memref<20x8x128xf32, #tpu.memory_space<hbm>>)
    %dma_wait3A_146 = arith.constant 1 : i32
    %dma_wait3A_147 = arith.constant 1 : i32
    %dma_wait3A_148 = arith.constant 0 : i32
    %dma_wait3A_149 = arith.constant 0 : i32
    %dma_wait3A_150 = arith.constant 0 : i32
    %dma_wait3A_151 = tpu.memref_slice %arg11[%dma_wait3A_146, %dma_wait3A_148, %dma_wait3A_149, %dma_wait3A_150] : memref<2x20x8x128xf32, #tpu.memory_space<vmem>> -> memref<1x20x8x128xf32, #tpu.memory_space<vmem>>
    %dma_wait3A_152 = tpu.memref_squeeze %dma_wait3A_151 : memref<1x20x8x128xf32, #tpu.memory_space<vmem>> -> memref<20x8x128xf32, #tpu.memory_space<vmem>>
    %dma_wait3A_153 = arith.constant 0 : i32
    %dma_wait3A_154 = arith.constant 0 : i32
    %dma_wait3A_155 = tpu.memref_slice %arg6[%dma_wait3A_147, %mul3A_107, %dma_wait3A_153, %dma_wait3A_154] : memref<2x25000x8x128xf32, #tpu.memory_space<hbm>> -> memref<1x20x8x128xf32, #tpu.memory_space<hbm>>
    %dma_wait3A_156 = tpu.memref_squeeze %dma_wait3A_155 : memref<1x20x8x128xf32, #tpu.memory_space<hbm>> -> memref<20x8x128xf32, #tpu.memory_space<hbm>>
    %dma_wait3A_157 = arith.constant 0 : i32
    %dma_wait3A_158 = arith.constant 0 : i32
    %dma_wait3A_159 = tpu.memref_slice %arg6[%dma_wait3A_147, %mul3A_107, %dma_wait3A_157, %dma_wait3A_158] : memref<2x25000x8x128xf32, #tpu.memory_space<hbm>> -> memref<1x20x8x128xf32, #tpu.memory_space<hbm>>
    %dma_wait3A_160 = tpu.memref_squeeze %dma_wait3A_159 : memref<1x20x8x128xf32, #tpu.memory_space<hbm>> -> memref<20x8x128xf32, #tpu.memory_space<hbm>>
    %dma_wait3A_161 = arith.constant 0 : i32
    %dma_wait3A_162 = arith.constant 0 : i32
    %dma_wait3A_163 = arith.constant 0 : i32
    %dma_wait3A_164 = tpu.memref_slice %arg11[%dma_wait3A_146, %dma_wait3A_161, %dma_wait3A_162, %dma_wait3A_163] : memref<2x20x8x128xf32, #tpu.memory_space<vmem>> -> memref<1x20x8x128xf32, #tpu.memory_space<vmem>>
    %dma_wait3A_165 = tpu.memref_squeeze %dma_wait3A_164 : memref<1x20x8x128xf32, #tpu.memory_space<vmem>> -> memref<20x8x128xf32, #tpu.memory_space<vmem>>
    tpu.wait_dma2 semaphore(%arg16 : memref<!tpu.dma_semaphore, #tpu.memory_space<semaphore_mem>>) src(%dma_wait3A_165 : memref<20x8x128xf32, #tpu.memory_space<vmem>>) dst(%dma_wait3A_160 : memref<20x8x128xf32, #tpu.memory_space<hbm>>)
    return
  }
}

</mosaic_0001>

<sc_bundles>
// kernel: kernel.3.cloned.1.call-start
scs
__scs_entry_jumppad:
0x0: {  	(pc) =	sbr.rel $0x88, $3  }
0x1: {  	(tag) =	ssettag $0x0;
	lr =	simm.s32 $0x1  }
0x2: {  	[smem:$0x3F9D] =	sst lr;
	_ =	strace $0xD0000000  }
0x3: {  	_ = 	snop  }
0x4: {  	_ = 	snop  }
0x5: {  	_ = 	snop  }
0x6: {  	_ = 	snop  }
0x7: {  	_ = 	snop  }
__scs_overlays_trampoline_lowered:
0x8: {  	[smem:$0x3FAC] =	sst s0  }
0x9: {  	[smem:$0x3FAD] =	sst s1  }
0xa: {  	[smem:$0x3FAE] =	sst s2  }
0xb: {  	[smem:$0x3FAF] =	sst s3  }
0xc: {  	[smem:$0x3FB0] =	sst s4  }
0xd: {  	[smem:$0x3FB1] =	sst s5  }
0xe: {  	[smem:$0x3FB2] =	sst s6  }
0xf: {  	[smem:$0x3FB3] =	sst s7  }
0x10: {  	[smem:$0x3FB4] =	sst s8  }
0x11: {  	[smem:$0x3FB5] =	sst s9;
	s0 =	simm.s32 @!p0 $0x0  }
0x12: {  	s1 =	sld [smem:$0x3F9B];
	s0 =	simm.s32 @p0 $0x1  }
0x13: {  	[smem:$0x3FB6] =	sst s0;
	s0 =	simm.s32 @!p1 $0x0  }
0x14: {  	s2 =	sld [smem:$0x3F9A];
	s0 =	simm.s32 @p1 $0x1  }
0x15: {  	[smem:$0x3FB7] =	sst s0;
	s0 =	simm.s32 @!p2 $0x0  }
0x16: {  	s3 =	sld [smem:$0x3FDB];
	s0 =	simm.s32 @p2 $0x1  }
0x17: {  	s4 =	simm.s32 $0x1BF5;
	[smem:$0x3FB9] =	sst s0  }
0x18: {  	s0 =	sld [smem:$0x3F9C];
	_ =	swait.ge [sflag:s4], $0x0  }
0x19: {  	s7 =	sld [smem:$0x3F9D]  }
0x1a: {  	s8 =	sadd.s32 $0xFFFFE003, lr  }
0x1b: {  	s9 =	sadd.s32 $0xFFFFFEF7, lr;
	s5 =	simm.s32 $0xFFFFFFFF;
	p2 =	slt.u32 s8, $0xFFFFF086  }
0x1c: {  	p1 =	slt.u32 s9, $0xF7A;
	s5 =	simm.s32 @!p2 $0x0  }
0x1d: {  	s5 =	simm.s32 @p1 $0x1;
	p0 =	seq.s32 s7, s2  }
0x1e: {  	s7 =	smul.u32 @!p0 $0xF7A, s2;
	p2 =	seq.s32 @!p0 s5, $0x0  }
0x1f: {  	s9 =	smul.u32 $0xF7A, s1;
	s8 =	simm.s32 @!p0 $0x1BF5;
	p2 =	por !p2, p0  }
0x20: {  	[sflag:s8] =	ssyncset.s32 @!p0 $0xFFFFF086;
	s6 =	sadd.s32 @!p0 s3, s7;
	s7 =	simm.s32 @!p0 $0x108  }
0x21: {  	s3 =	sadd.s32 s3, s9;
	s6 =	sadd.s32 @!p0 $0x88, s6;
	s7 =	simm.s32 @p2 $0x1082  }
0x22: {  	[simem:s7], [sflag:s8] =	dma.local @!p0 [hbm:s6], $0xF7A  }
0x23: {  	s9 =	sor.u32 $0xD0000000, s2;
	s6 =	simm.s32 $0x108;
	_ =	swait.ge @!p0 [sflag:s8], $0x0  }
0x24: {  	s3 =	sadd.s32 $0x88, s3;
	s6 =	simm.s32 @!p1 $0x1082;
	[sflag:s4] =	ssyncset.s32 $0xFFFFF086  }
0x25: {  	[simem:s6], [sflag:s4] =	dma.local [hbm:s3], $0xF7A  }
0x26: {  	[smem:$0x3F9D] =	sst s1;
	(tag) =	ssettag s2;
	_ =	strace s9  }
0x27: {  	s1 =	sld [smem:$0x3FAD]  }
0x28: {  	s2 =	sld [smem:$0x3FAE]  }
0x29: {  	s4 =	sld [smem:$0x3FB0]  }
0x2a: {  	p0 =	seq.s32 s5, $0x0;
	s5 =	sld [smem:$0x3FB1]  }
0x2b: {  	s6 =	sld [smem:$0x3FB2]  }
0x2c: {  	s7 =	sld [smem:$0x3FB3]  }
0x2d: {  	s3 =	simm.s32 $0x108;
	s8 =	sld [smem:$0x3FB4]  }
0x2e: {  	s3 =	simm.s32 @!p0 $0x1082;
	s9 =	sld [smem:$0x3FB5]  }
0x2f: {  	lr =	sadd.s32 s0, s3;
	s0 =	sld [smem:$0x3FAC]  }
0x30: {  	s3 =	sld [smem:$0x3FAF]  }
0x31: {  	[smem:$0x3FB8] =	sst s10  }
0x32: {  	s10 =	sld [smem:$0x3FB6];
	_ =	sdelay $0x3  }
0x33: {  	p0 =	seq.s32 s10, $0x1;
	s10 =	sld [smem:$0x3FB8];
	_ =	sdelay $0x3  }
0x34: {  	[smem:$0x3FB8] =	sst s10  }
0x35: {  	s10 =	sld [smem:$0x3FB7];
	_ =	sdelay $0x3  }
0x36: {  	p1 =	seq.s32 s10, $0x1;
	s10 =	sld [smem:$0x3FB8];
	_ =	sdelay $0x3  }
0x37: {  	[smem:$0x3FB8] =	sst s10  }
0x38: {  	s10 =	sld [smem:$0x3FB9]  }
0x39: {  	_ = 	snop;
	(pc) =	sbr.ind lr, $3  }
0x3a: {  	_ = 	snop  }
0x3b: {  	_ = 	snop  }
0x3c: {  	p2 =	seq.s32 s10, $0x1;
	s10 =	sld [smem:$0x3FB8]  }
0x3d: {  	_ =	shalt  }
0x3e: {  	_ =	shalt  }
0x3f: {  	_ =	shalt  }
0x40: {  	_ =	shalt  }
0x41: {  	_ =	shalt  }
0x42: {  	_ =	shalt  }
0x43: {  	_ =	shalt  }
0x44: {  	_ =	shalt  }
0x45: {  	_ =	shalt  }
0x46: {  	_ =	shalt  }
0x47: {  	_ =	shalt  }
0x48: {  	_ =	shalt  }
0x49: {  	_ =	shalt  }
0x4a: {  	_ =	shalt  }
0x4b: {  	_ =	shalt  }
0x4c: {  	_ =	shalt  }
0x4d: {  	_ =	shalt  }
0x4e: {  	_ =	shalt  }
0x4f: {  	_ =	shalt  }
0x50: {  	_ =	shalt  }
0x51: {  	_ =	shalt  }
0x52: {  	_ =	shalt  }
0x53: {  	_ =	shalt  }
0x54: {  	_ =	shalt  }
0x55: {  	_ =	shalt  }
0x56: {  	_ =	shalt  }
0x57: {  	_ =	shalt  }
0x58: {  	_ =	shalt  }
0x59: {  	_ =	shalt  }
0x5a: {  	_ =	shalt  }
0x5b: {  	_ =	shalt  }
0x5c: {  	_ =	shalt  }
0x5d: {  	_ =	shalt  }
0x5e: {  	_ =	shalt  }
0x5f: {  	_ =	shalt  }
0x60: {  	_ =	shalt  }
0x61: {  	_ =	shalt  }
0x62: {  	_ =	shalt  }
0x63: {  	_ =	shalt  }
0x64: {  	_ =	shalt  }
0x65: {  	_ =	shalt  }
0x66: {  	_ =	shalt  }
0x67: {  	_ =	shalt  }
0x68: {  	_ =	shalt  }
0x69: {  	_ =	shalt  }
0x6a: {  	_ =	shalt  }
0x6b: {  	_ =	shalt  }
0x6c: {  	_ =	shalt  }
0x6d: {  	_ =	shalt  }
0x6e: {  	_ =	shalt  }
0x6f: {  	_ =	shalt  }
0x70: {  	_ =	shalt  }
0x71: {  	_ =	shalt  }
0x72: {  	_ =	shalt  }
0x73: {  	_ =	shalt  }
0x74: {  	_ =	shalt  }
0x75: {  	_ =	shalt  }
0x76: {  	_ =	shalt  }
0x77: {  	_ =	shalt  }
0x78: {  	_ =	shalt  }
0x79: {  	_ =	shalt  }
0x7a: {  	_ =	shalt  }
0x7b: {  	_ =	shalt  }
0x7c: {  	_ =	shalt  }
0x7d: {  	_ =	shalt  }
0x7e: {  	_ =	shalt  }
0x7f: {  	_ =	shalt  }
0x80: {  	_ =	shalt  }
0x81: {  	_ =	shalt  }
0x82: {  	_ =	shalt  }
0x83: {  	_ =	shalt  }
0x84: {  	_ =	shalt  }
0x85: {  	_ =	shalt  }
0x86: {  	_ =	shalt  }
0x87: {  	_ =	shalt  }
.Lfunc_end0:
.L_simem_size_0:
called_computation_lowered:
.L_overlay_start_0:
0x88: {  	s2 =	sld [smem:$0x3FD9]  }
0x89: {  	s3 =	sld [smem:$0x3FFE];
	_ =	sdelay $0x1  }
0x8a: {  	s1 =	srdreg.scid  }
0x8b: {  	s0 =	sand.u32 $0x1, s1  }
0x8c: {  	s14 =	sshll.u32 s0, $0xA;
	s2 =	sadd.s32 s3, s2  }
0x8d: {  	s2 =	sadd.s32 s2, s14  }
0x8e: {  	[smem:$0x3FC4] =	sst s2  }
0x8f: {  	_ = 	snop  }
0x90: {  	s2 =	sld [smem:$0x3FD0];
	_ =	sdelay $0x2  }
0x91: {  	s4 =	simm.s32 $0xA;
	s5 =	simm.s32 $0x10;
	s15 =	sld [smem:$0x3FC9]  }
0x92: {  	[smem:s5], [sflag:s4] =	dma.local [hbm:s2], $0x1  }
0x93: {  	_ =	swait.eq [sflag:s4], $0x1  }
0x94: {  	s16 =	sld [smem:$0x10];
	[sflag:s4] =	ssyncset.done $0x0  }
0x95: {  	s17 =	sld [smem:$0x11];
	[sflag:s4] =	ssyncadd.s32 $0xFFFFFFFF  }
0x96: {  	s18 =	sld [smem:$0x12];
	(tm) =	ssettm $0x1  }
0x97: {  	s6 =	sld [smem:$0x3FFB];
	_ =	sdelay $0x3  }
0x98: {  	_ =	strace s6  }
0x99: {  	s6 =	sld [smem:$0x3FFC];
	_ =	sdelay $0x3  }
0x9a: {  	_ =	strace s6  }
0x9b: {  	s6 =	sld [smem:$0x3FFD];
	_ =	sdelay $0x3  }
0x9c: {  	_ =	strace s6  }
0x9d: {  	_ =	strace $0x8FFFFFFF  }
0x9e: {  	s19 =	sld [smem:$0x3FDB];
	_ =	sdelay $0x1  }
0x9f: {  	s7 =	simm.s32 $_scs_section_size  }
0xa0: {  	s8 =	simm.s32 $_size__tile_overlayer_lowered;
	s9 =	simm.s32 $_tile_overlayer_lowered  }
0xa1: {  	s22 =	simm.s32 $0x1BFF;
	s21 =	sshll.u32 s9, $0x1;
	s6 =	sadd.s32 s7, s19  }
0xa2: {  	s10 =	simm.s32 $0x0;
	s20 =	sshll.u32 s8, $0x1;
	s8 =	sadd.s32 s21, s6  }
0xa3: {  	[timem:s10], [sflag:s22] =	dma.local [hbm:s8], s20  }
0xa4: {  	_ =	swait.ge [sflag:s22], s20  }
0xa5: {  	s7 =	ssub.s32 $0x0, s20;
	[sflag:s22] =	ssyncset.done $0x0  }
0xa6: {  	[sflag:s22] =	ssyncadd.s32 s7;
	_ =	sdelay $0x1  }
0xa7: {  	s23 =	simm.s32 $0x1B8B  }
0xa8: {  	_ =	swait.ge [sflag:s23], $0x1  }
0xa9: {  	[sflag:s23] =	ssyncset.done $0x0  }
0xaa: {  	s25 =	simm.s32 $0x1B8E;
	s24 =	sld [smem:$0x3FFE];
	[sflag:s23] =	ssyncadd.s32 $0xFFFFFFFF  }
0xab: {  	s26 =	simm.s32 $execute0_lowered;
	[smem:$0x3FD2] =	sst s25  }
0xac: {  	s8 =	sshll.u32 s26, $0x1;
	_ =	strace $0x80000046;
	[dreg:$0x1] =	wrdreg $0xFFFFFFFF  }
0xad: {  	s28 =	simm.s32 $_size_execute0_lowered;
	s6 =	sadd.s32 s6, s8;
	[dreg:$0x0] =	wrdreg $0x0  }
0xae: {  	s8 =	sshll.u32 s28, $0x1;
	[dreg:$0x2] =	wrdreg s6  }
0xaf: {  	[dreg:$0x3] =	wrdreg s8  }
0xb0: {  	[dreg:$0x4] =	wrdreg $0xC0  }
0xb1: {  	_ =	task [dreg:s10], $0x5FFFF  }
0xb2: {  	[dreg:$0x1] =	wrdreg $0xFFFFFFFF  }
0xb3: {  	[dreg:$0x0] =	wrdreg $0x60  }
0xb4: {  	[dreg:$0x2] =	wrdreg s15  }
0xb5: {  	[dreg:$0x3] =	wrdreg s24  }
0xb6: {  	[dreg:$0x4] =	wrdreg s16  }
0xb7: {  	[dreg:$0x5] =	wrdreg s17  }
0xb8: {  	[dreg:$0x6] =	wrdreg s18  }
0xb9: {  	[dreg:$0x7] =	wrdreg $0x9  }
0xba: {  	_ =	task.clear_ibuf [dreg:s10], $0x8FFFF;
	_ =	strace $0x90000046  }
0xbb: {  	s29 =	simm.s32 $0x9;
	_ =	strace $0x80000048  }
0xbc: {  	_ =	swait.ge [sflag:s29], $0x1  }
0xbd: {  	[sflag:s29] =	ssyncadd.s32 $0xFFFFFFFF  }
0xbe: {  	_ =	strace $0x90000048  }
0xbf: {  	_ =	sfence  }
0xc0: {  	s30 =	sld [smem:$0x0];
	_ =	sdelay $0x2  }
0xc1: {  	s31 =	sshll.u32 s1, $0xD;
	s1 =	sshrl.u32 s1, $0x2  }
0xc2: {  	s3 =	sand.u32 $0x4000, s31;
	s1 =	sadd.s32 s1, s30  }
0xc3: {  	s0 =	sor.u32 s3, s0;
	s1 =	sshll.u32 s1, $0x11  }
0xc4: {  	s0 =	sor.u32 s1, s0  }
0xc5: {  	s0 =	sadd.s32 $0x8F2B, s0  }
0xc6: {  	[sflag:s0] =	ssyncadd.remote.s32 $0x1  }
0xc7: {  	_ =	sfence.sel $0xFFFF  }
0xc8: {  	[dreg:$0x0] =	wrdreg $0xFFFFFFFF;
	(pc) =	sbr.abs _section_cstart, $3  }
0xc9: {  	[dreg:$0x1] =	wrdreg $0xFFFFFFFF  }
0xca: {  	_ =	task.clear_ibuf [dreg:s10], $0x2FFFF;
	_ =	strace $0x9FFFFFFF  }
0xcb: {  	(tm) =	ssettm $0x7FFFFFFF  }
tec
execute0_lowered:
.L_overlay_start_1:
0x0: {  	(tag) =	ssettag $0x1  }
0x1: {  	s0 =	rddreg [dreg:$0x0]  }
0x2: {  	s1 =	rddreg [dreg:$0x1]  }
0x3: {  	s2 =	rddreg [dreg:$0x2]  }
0x4: {  	s4 =	rddreg [dreg:$0x3];
	s3 =	srdreg.scid  }
0x5: {  	s6 =	stileid.u32;
	s5 =	rddreg [dreg:$0x4]  }
0x6: {  	s12 =	simm.s32 $0x17C00;
	s15 =	simm.s32 $0x1;
	s20 =	simm.s32 $0x2  }
0x7: {  	s21 =	simm.s32 $0x4;
	s3 =	sand.u32 $0x1, s3;
	s7 =	sshll.u32 s6, $0x1  }
0x8: {  	s6 =	simm.s32 $0x0;
	s1 =	sadd.s32 $0x800, s1;
	s7 =	sor.u32 s3, s7  }
0x9: {  	[smem:$0x7FF] =	sst s6;
	s3 =	ssub.s32 $0x2, s3;
	s8 =	smul.u32 $0x3200, s7  }
0xa: {  	_ =	strace $0x80000047;
	s9 =	sshrl.u32 s3, $0x1;
	s26 =	smul.u32 $0x28, s7  }
0xb: {  	[dreg:$0x6] =	wrdreg s1;
	s30 =	ssub.s32 s3, s9;
	s31 =	sadd.s32 s0, s8  }
0xc: {  	s25 =	simm.s32 $0x12C00;
	s1 =	smax.u32 s30, $0x1;
	[dreg:$0x7] =	wrdreg s31  }
0xd: {  	s3 =	simm.s32 $0x0;
	s10 =	sor.u32 $0x2, s26;
	[dreg:$0x8] =	wrdreg s1  }
.LBB2_1:
0xe: {  	[dreg:$0x9] =	wrdreg s3  }
0xf: {  	s1 =	rddreg [dreg:$0x6];
	s30 =	simm.s32 $0x5  }
0x10: {  	[tilespmem:s12], [sflag:$0x5] =	stream.linear.gather [hbm4b:s1+s6], $0x560, $0x38;
	[tilespmem:$0x18160] =	vst v63  }
0x11: {  	_ =	swait.ge [sflag:s30], $0x560  }
0x12: {  	[sflag:s30] =	ssyncset.done $0x0  }
0x13: {  	s29 =	simm.s32 $0x0;
	s31 =	rddreg [dreg:$0x7];
	[sflag:s30] =	ssyncadd.s32 $0xFFFFFAA0  }
0x14: {  	[tilespmem:s6], [sflag:$0x1] =	stream.linear.gather [hbm4b:s31+s6], $0xA00, $0x38;
	[tilespmem:$0x18160] =	vst v63  }
.LBB2_2:
0x15: {  	s7 =	sshll.u32 s29, $0x1  }
0x16: {  	s28 =	sadd.s32 s26, s7  }
0x17: {  	s1 =	sadd.s32 $0x1, s28  }
0x18: {  	s30 =	smov.u32 s26;
	p0 =	slt.u32 s1, $0x4E2  }
0x19: {  	s30 =	smov.u32 @p0 s1  }
0x1a: {  	s31 =	smul.u32 $0x140, s30;
	_ =	sdelay $0x1  }
0x1b: {  	s3 =	simm.s32 $0xA00;
	s8 =	sadd.s32 s0, s31  }
0x1c: {  	[tilespmem:s3], [sflag:$0x2] =	stream.linear.gather [hbm4b:s8+s6], $0xA00, $0x38;
	[tilespmem:$0x18160] =	vst v63  }
0x1d: {  	_ =	swait.ge [sflag:s15], $0xA00  }
0x1e: {  	p0 =	seq.s32 s29, $0x0;
	[sflag:s15] =	ssyncset.done $0x0  }
0x1f: {  	s1 =	simm.s32 @!p0 $0x3;
	[sflag:s15] =	ssyncadd.s32 $0xFFFFF600  }
0x20: {  	_ =	swait.ge @!p0 [sflag:s1], $0xA00  }
0x21: {  	[sflag:s1] =	ssyncset.done @!p0 $0x0  }
0x22: {  	[sflag:s1] =	ssyncadd.s32 @!p0 $0xFFFFF600  }
0x23: {  	_ =	swait.ge @!p0 [sflag:s1], $0xA00  }
0x24: {  	[sflag:s1] =	ssyncset.done @!p0 $0x0  }
0x25: {  	[sflag:s1] =	ssyncadd.s32 @!p0 $0xFFFFF600  }
0x26: {  	_ =	swait.ge @!p0 [sflag:s1], $0x5000  }
0x27: {  	[sflag:s1] =	ssyncset.done @!p0 $0x0  }
0x28: {  	[sflag:s1] =	ssyncadd.s32 @!p0 $0xFFFFB000  }
0x29: {  	s9 =	simm.s32 $0x0;
	s8 =	simm.s32 $0x0;
	_ =	swait.ge @!p0 [sflag:s1], $0x5000  }
0x2a: {  	s3 =	sand.u32 $0x70, s9;
	s8 =	sand.u32 $0x3FFFFF80, s8;
	[sflag:s1] =	ssyncset.done @!p0 $0x0  }
0x2b: {  	s11 =	sor.u32 s3, s8;
	[sflag:s1] =	ssyncadd.s32 @!p0 $0xFFFFB000  }
0x2c: {  	v0 =	vld [tilespmem:s11+$0x0];
	_ =	sdelay $0x4  }
0x2d: {  	v5 =	vshll.u32 v0, $0x4;
	_ =	sdelay $0x4  }
0x2e: {  	v0 =	vld.idx.msk [tilespmem:v5+s12+$0x0], $0xffff  }
0x2f: {  	v1 =	vor.u32 $0x1, v5  }
0x30: {  	s13 =	simm.s32 $0x10;
	s14 =	simm.s32 $0x10;
	s9 =	simm.s32 $0x0  }
0x31: {  	s9 =	sand.u32 $0xFFFFFC00, s9;
	s8 =	sand.u32 $0x70, s14;
	s1 =	sand.u32 $0x3FFFFF80, s13  }
0x32: {  	s13 =	sor.u32 s3, s9;
	s1 =	sor.u32 s8, s1  }
0x33: {  	v2 =	vld [tilespmem:s1+$0x0];
	[tilespmem:s13+$0x3C00] =	vst v0  }
0x34: {  	v0 =	vld.idx.msk [tilespmem:v1+s12+$0x0], $0xffff  }
0x35: {  	v1 =	vor.u32 $0x2, v5;
	_ =	sdelay $0x2  }
0x36: {  	v6 =	vshll.u32 v2, $0x4  }
0x37: {  	[tilespmem:s13+$0x3C80] =	vst v0  }
0x38: {  	v0 =	vld.idx.msk [tilespmem:v1+s12+$0x0], $0xffff  }
0x39: {  	v1 =	vor.u32 $0x3, v5;
	_ =	sdelay $0x1  }
0x3a: {  	v2 =	vld.idx.msk [tilespmem:v6+s12+$0x0], $0xffff  }
0x3b: {  	s16 =	simm.s32 $0x20;
	s17 =	simm.s32 $0x20;
	v3 =	vor.u32 $0x1, v6  }
0x3c: {  	s18 =	simm.s32 $0x80;
	s3 =	sand.u32 $0x70, s17;
	s1 =	sand.u32 $0x3FFFFF80, s16;
	[tilespmem:s13+$0x3D00] =	vst v0  }
0x3d: {  	s9 =	sand.u32 $0xFFFFFC00, s18;
	s1 =	sor.u32 s3, s1;
	v0 =	vld.idx.msk [tilespmem:v1+s12+$0x0], $0xffff  }
0x3e: {  	s11 =	sor.u32 s8, s9;
	v4 =	vor.u32 $0x4, v5;
	v1 =	vld [tilespmem:s1+$0x0]  }
0x3f: {  	[tilespmem:s11+$0x3C00] =	vst v2  }
0x40: {  	v2 =	vld.idx.msk [tilespmem:v3+s12+$0x0], $0xffff  }
0x41: {  	v3 =	vor.u32 $0x2, v6  }
0x42: {  	[tilespmem:s13+$0x3D80] =	vst v0  }
0x43: {  	v1 =	vshll.u32 v1, $0x4;
	v0 =	vld.idx.msk [tilespmem:v4+s12+$0x0], $0xffff  }
0x44: {  	v4 =	vor.u32 $0x5, v5  }
0x45: {  	[tilespmem:s11+$0x3C80] =	vst v2  }
0x46: {  	v2 =	vld.idx.msk [tilespmem:v3+s12+$0x0], $0xffff  }
0x47: {  	v3 =	vor.u32 $0x3, v6  }
0x48: {  	v7 =	vld.idx.msk [tilespmem:v1+s12+$0x0], $0xffff;
	[tilespmem:s13+$0x3E00] =	vst v0  }
0x49: {  	v0 =	vld.idx.msk [tilespmem:v4+s12+$0x0], $0xffff;
	v4 =	vor.u32 $0x1, v1  }
0x4a: {  	s19 =	simm.s32 $0x30;
	s22 =	simm.s32 $0x30;
	s23 =	simm.s32 $0x100;
	v8 =	vor.u32 $0x6, v5  }
0x4b: {  	s24 =	sand.u32 $0xFFFFFC00, s23;
	s14 =	sand.u32 $0x70, s22;
	s1 =	sand.u32 $0x3FFFFF80, s19;
	[tilespmem:s11+$0x3D00] =	vst v2  }
0x4c: {  	s8 =	sor.u32 s3, s24;
	s1 =	sor.u32 s14, s1;
	v2 =	vld.idx.msk [tilespmem:v3+s12+$0x0], $0xffff  }
0x4d: {  	v3 =	vld [tilespmem:s1+$0x0];
	[tilespmem:s8+$0x3C00] =	vst v7;
	v7 =	vor.u32 $0x4, v6  }
0x4e: {  	v4 =	vld.idx.msk [tilespmem:v4+s12+$0x0], $0xffff;
	[tilespmem:s13+$0x3E80] =	vst v0  }
0x4f: {  	v9 =	vor.u32 $0x2, v1;
	v8 =	vld.idx.msk [tilespmem:v8+s12+$0x0], $0xffff  }
0x50: {  	v10 =	vor.u32 $0x7, v5  }
0x51: {  	[tilespmem:s11+$0x3D80] =	vst v2  }
0x52: {  	v0 =	vshll.u32 v3, $0x4;
	v2 =	vld.idx.msk [tilespmem:v7+s12+$0x0], $0xffff  }
0x53: {  	v3 =	vor.u32 $0x5, v6;
	[tilespmem:s8+$0x3C80] =	vst v4  }
0x54: {  	v4 =	vld.idx.msk [tilespmem:v9+s12+$0x0], $0xffff;
	[tilespmem:s13+$0x3F00] =	vst v8  }
0x55: {  	v8 =	vor.u32 $0x3, v1;
	v7 =	vld.idx.msk [tilespmem:v10+s12+$0x0], $0xffff  }
0x56: {  	s9 =	simm.s32 $0x40;
	s16 =	simm.s32 $0x40;
	v9 =	vor.u32 $0x8, v5  }
0x57: {  	s16 =	sand.u32 $0x70, s16;
	s1 =	sand.u32 $0x3FFFFF80, s9;
	v10 =	vld.idx.msk [tilespmem:v0+s12+$0x0], $0xffff;
	[tilespmem:s11+$0x3E00] =	vst v2  }
0x58: {  	s1 =	sor.u32 s16, s1;
	v2 =	vld.idx.msk [tilespmem:v3+s12+$0x0], $0xffff;
	v3 =	vor.u32 $0x1, v0  }
0x59: {  	s17 =	simm.s32 $0x180;
	v11 =	vld [tilespmem:s1+$0x0];
	[tilespmem:s8+$0x3D00] =	vst v4;
	v4 =	vor.u32 $0x6, v6  }
0x5a: {  	s1 =	sand.u32 $0xFFFFFC00, s17;
	v8 =	vld.idx.msk [tilespmem:v8+s12+$0x0], $0xffff;
	[tilespmem:s13+$0x3F80] =	vst v7  }
0x5b: {  	s3 =	sor.u32 s14, s1;
	v7 =	vld.idx.msk [tilespmem:v9+s12+$0x0], $0xffff;
	v9 =	vor.u32 $0x4, v1  }
0x5c: {  	[tilespmem:s3+$0x3C00] =	vst v10;
	v10 =	vor.u32 $0x9, v5  }
0x5d: {  	v3 =	vld.idx.msk [tilespmem:v3+s12+$0x0], $0xffff;
	[tilespmem:s11+$0x3E80] =	vst v2  }
0x5e: {  	v12 =	vor.u32 $0x2, v0;
	v4 =	vld.idx.msk [tilespmem:v4+s12+$0x0], $0xffff  }
0x5f: {  	[tilespmem:s8+$0x3D80] =	vst v8;
	v8 =	vor.u32 $0x7, v6  }
0x60: {  	v2 =	vshll.u32 v11, $0x4;
	v9 =	vld.idx.msk [tilespmem:v9+s12+$0x0], $0xffff;
	[tilespmem:s13+$0xDC00] =	vst v7  }
0x61: {  	v7 =	vld.idx.msk [tilespmem:v10+s12+$0x0], $0xffff;
	v10 =	vor.u32 $0x5, v1  }
0x62: {  	[tilespmem:s3+$0x3C80] =	vst v3  }
0x63: {  	v3 =	vor.u32 $0xA, v5;
	v11 =	vld.idx.msk [tilespmem:v12+s12+$0x0], $0xffff;
	[tilespmem:s11+$0x3F00] =	vst v4  }
0x64: {  	s18 =	simm.s32 $0x50;
	s19 =	simm.s32 $0x50;
	v4 =	vld.idx.msk [tilespmem:v8+s12+$0x0], $0xffff;
	v8 =	vor.u32 $0x3, v0  }
0x65: {  	s9 =	sand.u32 $0x70, s19;
	s1 =	sand.u32 $0x3FFFFF80, s18;
	v12 =	vld.idx.msk [tilespmem:v2+s12+$0x0], $0xffff;
	[tilespmem:s8+$0x3E00] =	vst v9;
	v9 =	vor.u32 $0x8, v6  }
0x66: {  	s1 =	sor.u32 s9, s1;
	v10 =	vld.idx.msk [tilespmem:v10+s12+$0x0], $0xffff;
	[tilespmem:s13+$0xDC80] =	vst v7;
	v7 =	vor.u32 $0x1, v2  }
0x67: {  	s22 =	simm.s32 $0x200;
	v13 =	vor.u32 $0x6, v1;
	v14 =	vld [tilespmem:s1+$0x0]  }
0x68: {  	s23 =	sand.u32 $0xFFFFFC00, s22;
	v3 =	vld.idx.msk [tilespmem:v3+s12+$0x0], $0xffff;
	[tilespmem:s3+$0x3D00] =	vst v11  }
0x69: {  	s1 =	sor.u32 s16, s23;
	v11 =	vor.u32 $0xB, v5;
	v8 =	vld.idx.msk [tilespmem:v8+s12+$0x0], $0xffff;
	[tilespmem:s11+$0x3F80] =	vst v4  }
0x6a: {  	s24 =	simm.s32 $0x60;
	s17 =	simm.s32 $0x60;
	[tilespmem:s1+$0x3C00] =	vst v12;
	v4 =	vld.idx.msk [tilespmem:v9+s12+$0x0], $0xffff;
	v9 =	vor.u32 $0x4, v0  }
0x6b: {  	s14 =	sand.u32 $0x70, s17;
	s16 =	sand.u32 $0x3FFFFF80, s24;
	v7 =	vld.idx.msk [tilespmem:v7+s12+$0x0], $0xffff;
	[tilespmem:s8+$0x3E80] =	vst v10;
	v10 =	vor.u32 $0x9, v6  }
0x6c: {  	s16 =	sor.u32 s14, s16;
	v12 =	vld.idx.msk [tilespmem:v13+s12+$0x0], $0xffff;
	v13 =	vor.u32 $0x2, v2  }
0x6d: {  	v15 =	vor.u32 $0x7, v1;
	v16 =	vld [tilespmem:s16+$0x0];
	[tilespmem:s13+$0xDD00] =	vst v3  }
0x6e: {  	v3 =	vshll.u32 v14, $0x4;
	v11 =	vld.idx.msk [tilespmem:v11+s12+$0x0], $0xffff;
	[tilespmem:s3+$0x3D80] =	vst v8  }
0x6f: {  	v8 =	vor.u32 $0xC, v5;
	v9 =	vld.idx.msk [tilespmem:v9+s12+$0x0], $0xffff;
	[tilespmem:s11+$0xDC00] =	vst v4  }
0x70: {  	v4 =	vld.idx.msk [tilespmem:v10+s12+$0x0], $0xffff;
	[tilespmem:s1+$0x3C80] =	vst v7;
	v7 =	vor.u32 $0x5, v0  }
0x71: {  	v10 =	vld.idx.msk [tilespmem:v13+s12+$0x0], $0xffff;
	[tilespmem:s8+$0x3F00] =	vst v12  }
0x72: {  	s18 =	simm.s32 $0x280;
	v12 =	vor.u32 $0xA, v6;
	v13 =	vld.idx.msk [tilespmem:v15+s12+$0x0], $0xffff  }
0x73: {  	s19 =	simm.s32 $0x70;
	s17 =	simm.s32 $0x70;
	s16 =	sand.u32 $0xFFFFFC00, s18;
	[tilespmem:s13+$0xDD80] =	vst v11;
	v11 =	vor.u32 $0x3, v2;
	v15 =	vld.idx.msk [tilespmem:v3+s12+$0x0], $0xffff  }
0x74: {  	s17 =	sand.u32 $0x3FFFFF80, s17;
	s9 =	sor.u32 s9, s16;
	s16 =	sand.u32 $0x70, s19;
	v14 =	vor.u32 $0x8, v1;
	v8 =	vld.idx.msk [tilespmem:v8+s12+$0x0], $0xffff;
	[tilespmem:s3+$0x3E00] =	vst v9  }
0x75: {  	s17 =	sor.u32 s16, s17;
	v9 =	vor.u32 $0xD, v5;
	v7 =	vld.idx.msk [tilespmem:v7+s12+$0x0], $0xffff;
	[tilespmem:s11+$0xDC80] =	vst v4  }
0x76: {  	v18 =	vld [tilespmem:s17+$0x0];
	v4 =	vor.u32 $0x1, v3;
	[tilespmem:s1+$0x3D00] =	vst v10  }
0x77: {  	v12 =	vld.idx.msk [tilespmem:v12+s12+$0x0], $0xffff;
	v10 =	vor.u32 $0x6, v0;
	[tilespmem:s8+$0x3F80] =	vst v13  }
0x78: {  	v11 =	vld.idx.msk [tilespmem:v11+s12+$0x0], $0xffff;
	v13 =	vor.u32 $0xB, v6;
	[tilespmem:s9+$0x3C00] =	vst v15  }
0x79: {  	v14 =	vld.idx.msk [tilespmem:v14+s12+$0x0], $0xffff;
	[tilespmem:s13+$0xDE00] =	vst v8;
	v8 =	vor.u32 $0x4, v2  }
0x7a: {  	v9 =	vld.idx.msk [tilespmem:v9+s12+$0x0], $0xffff;
	[tilespmem:s3+$0x3E80] =	vst v7;
	v7 =	vor.u32 $0x9, v1  }
0x7b: {  	v15 =	vld.idx.msk [tilespmem:v4+s12+$0x0], $0xffff;
	v4 =	vshll.u32 v16, $0x4  }
0x7c: {  	v10 =	vld.idx.msk [tilespmem:v10+s12+$0x0], $0xffff;
	[tilespmem:s11+$0xDD00] =	vst v12;
	v12 =	vor.u32 $0xE, v5  }
0x7d: {  	v17 =	vor.u32 $0x2, v3;
	v13 =	vld.idx.msk [tilespmem:v13+s12+$0x0], $0xffff;
	[tilespmem:s1+$0x3D80] =	vst v11  }
0x7e: {  	v11 =	vor.u32 $0x7, v0;
	v8 =	vld.idx.msk [tilespmem:v8+s12+$0x0], $0xffff;
	[tilespmem:s8+$0xDC00] =	vst v14  }
0x7f: {  	v14 =	vor.u32 $0xC, v6;
	[tilespmem:s13+$0xDE80] =	vst v9;
	v7 =	vld.idx.msk [tilespmem:v7+s12+$0x0], $0xffff  }
0x80: {  	v9 =	vor.u32 $0x5, v2;
	[tilespmem:s9+$0x3C80] =	vst v15;
	v16 =	vld.idx.msk [tilespmem:v4+s12+$0x0], $0xffff  }
0x81: {  	v12 =	vld.idx.msk [tilespmem:v12+s12+$0x0], $0xffff;
	[tilespmem:s3+$0x3F00] =	vst v10;
	v10 =	vor.u32 $0xA, v1  }
0x82: {  	v15 =	vld.idx.msk [tilespmem:v17+s12+$0x0], $0xffff;
	v17 =	vor.u32 $0x1, v4  }
0x83: {  	s23 =	simm.s32 $0x300;
	v5 =	vor.u32 $0xF, v5;
	v11 =	vld.idx.msk [tilespmem:v11+s12+$0x0], $0xffff;
	[tilespmem:s11+$0xDD80] =	vst v13  }
0x84: {  	s13 =	sand.u32 $0xFFFFFC00, s23;
	v13 =	vor.u32 $0x3, v3;
	v14 =	vld.idx.msk [tilespmem:v14+s12+$0x0], $0xffff;
	[tilespmem:s1+$0x3E00] =	vst v8  }
0x85: {  	s13 =	sor.u32 s14, s13;
	v8 =	vor.u32 $0x8, v0;
	v9 =	vld.idx.msk [tilespmem:v9+s12+$0x0], $0xffff;
	[tilespmem:s8+$0xDC80] =	vst v7  }
0x86: {  	s22 =	simm.s32 $0x1400;
	v7 =	vor.u32 $0xD, v6;
	[tilespmem:s13+$0x3C00] =	vst v16;
	v10 =	vld.idx.msk [tilespmem:v10+s12+$0x0], $0xffff  }
0x87: {  	[tilespmem:s22+$0x0] =	vst v12;
	v12 =	vor.u32 $0x6, v2;
	v16 =	vld.idx.msk [tilespmem:v17+s12+$0x0], $0xffff  }
0x88: {  	[tilespmem:s9+$0x3D00] =	vst v15;
	v15 =	vld.idx.msk [tilespmem:v5+s12+$0x0], $0xffff  }
0x89: {  	v5 =	vld.idx.msk [tilespmem:v13+s12+$0x0], $0xffff;
	[tilespmem:s3+$0x3F80] =	vst v11;
	v11 =	vor.u32 $0xB, v1  }
0x8a: {  	s24 =	simm.s32 $0x80;
	s18 =	simm.s32 $0x80;
	v13 =	vor.u32 $0x4, v3;
	v8 =	vld.idx.msk [tilespmem:v8+s12+$0x0], $0xffff;
	[tilespmem:s11+$0xDE00] =	vst v14  }
0x8b: {  	s19 =	sand.u32 $0x70, s18;
	s14 =	sand.u32 $0x3FFFFF80, s24;
	[tilespmem:s1+$0x3E80] =	vst v9;
	v9 =	vor.u32 $0x9, v0;
	v14 =	vld.idx.msk [tilespmem:v7+s12+$0x0], $0xffff  }
0x8c: {  	s14 =	sor.u32 s19, s14;
	v17 =	vor.u32 $0x2, v4;
	v12 =	vld.idx.msk [tilespmem:v12+s12+$0x0], $0xffff;
	[tilespmem:s8+$0xDD00] =	vst v10  }
0x8d: {  	v7 =	vld [tilespmem:s14+$0x0];
	v10 =	vor.u32 $0xE, v6;
	[tilespmem:s13+$0x3C80] =	vst v16  }
0x8e: {  	v19 =	vor.u32 $0x7, v2;
	v11 =	vld.idx.msk [tilespmem:v11+s12+$0x0], $0xffff;
	[tilespmem:s9+$0x3D80] =	vst v5  }
0x8f: {  	v5 =	vshll.u32 v18, $0x4;
	v13 =	vld.idx.msk [tilespmem:v13+s12+$0x0], $0xffff;
	[tilespmem:s3+$0xDC00] =	vst v8  }
0x90: {  	v8 =	vor.u32 $0xC, v1;
	v18 =	vld.idx.msk [tilespmem:v9+s12+$0x0], $0xffff;
	[tilespmem:s11+$0xDE80] =	vst v14  }
0x91: {  	v17 =	vld.idx.msk [tilespmem:v17+s12+$0x0], $0xffff;
	[tilespmem:s1+$0x3F00] =	vst v12;
	v12 =	vor.u32 $0xA, v0  }
0x92: {  	v14 =	vor.u32 $0x5, v3;
	v10 =	vld.idx.msk [tilespmem:v10+s12+$0x0], $0xffff  }
0x93: {  	v20 =	vor.u32 $0x3, v4;
	v19 =	vld.idx.msk [tilespmem:v19+s12+$0x0], $0xffff;
	[tilespmem:s8+$0xDD80] =	vst v11  }
0x94: {  	v6 =	vor.u32 $0xF, v6;
	v16 =	vld.idx.msk [tilespmem:v5+s12+$0x0], $0xffff;
	[tilespmem:s9+$0x3E00] =	vst v13  }
0x95: {  	s17 =	simm.s32 $0x2800;
	v9 =	vld.idx.msk [tilespmem:v8+s12+$0x0], $0xffff;
	v13 =	vor.u32 $0x8, v2;
	[tilespmem:s3+$0xDC80] =	vst v18  }
0x96: {  	p1 =	slt.u32 s28, $0x4E2;
	s23 =	simm.s32 $0x380;
	s22 =	sadd.s32 s7, s10;
	[tilespmem:s17+$0x0] =	vst v15;
	v8 =	vld.idx.msk [tilespmem:v12+s12+$0x0], $0xffff;
	v12 =	vor.u32 $0xD, v1  }
0x97: {  	s7 =	smov.u32 s26;
	p2 =	slt.u32 s22, $0x4E2;
	s14 =	simm.s32 $0x1410;
	[tilespmem:s13+$0x3D00] =	vst v17;
	v18 =	vor.u32 $0x1, v5;
	v14 =	vld.idx.msk [tilespmem:v14+s12+$0x0], $0xffff  }
0x98: {  	s23 =	sand.u32 $0xFFFFFC00, s23;
	s7 =	smov.u32 @p2 s22;
	v15 =	vor.u32 $0x6, v3;
	s11 =	smov.u32 s26;
	v17 =	vld.idx.msk [tilespmem:v20+s12+$0x0], $0xffff;
	[tilespmem:s14+$0x0] =	vst v10  }
0x99: {  	s22 =	simm.s32 $0x9;
	s11 =	smov.u32 @p1 s28;
	s28 =	simm.s32 $0x8;
	v10 =	vor.u32 $0xB, v0;
	v11 =	vld.idx.msk [tilespmem:v6+s12+$0x0], $0xffff;
	[tilespmem:s1+$0x3F80] =	vst v19  }
.LBB2_3:
0x9a: {  	p1 =	sne.s32 s22, $0x9F;
	s23 =	sor.u32 s16, s23;
	v6 =	vld.idx.msk [tilespmem:v13+s12+$0x0], $0xffff;
	[tilespmem:s8+$0xDE00] =	vst v9;
	s16 =	smov.u32 s19  }
0x9b: {  	v9 =	vor.u32 $0x4, v4;
	[tilespmem:s23+$0x3C00] =	vst v16;
	v12 =	vld.idx.msk [tilespmem:v12+s12+$0x0], $0xffff  }
0x9c: {  	s24 =	sshll.u32 s22, $0x4;
	s18 =	sadd.s32 $0x10, s18;
	v13 =	vld.idx.msk [tilespmem:v18+s12+$0x0], $0xffff;
	[tilespmem:s9+$0x3E80] =	vst v14;
	v14 =	vor.u32 $0x9, v2  }
0x9d: {  	s17 =	sadd.s32 $0x10, s17;
	s19 =	sand.u32 $0x70, s18;
	s24 =	sand.u32 $0x3FFFFF80, s24;
	v15 =	vld.idx.msk [tilespmem:v15+s12+$0x0], $0xffff;
	[tilespmem:s3+$0xDD00] =	vst v8;
	v8 =	vor.u32 $0xE, v1  }
0x9e: {  	v16 =	vor.u32 $0x2, v5;
	s24 =	sor.u32 s19, s24;
	v10 =	vld.idx.msk [tilespmem:v10+s12+$0x0], $0xffff;
	[tilespmem:s17+$0x0] =	vst v11  }
0x9f: {  	v11 =	vld [tilespmem:s24+$0x0];
	[tilespmem:s13+$0x3D80] =	vst v17;
	v17 =	vor.u32 $0x7, v3  }
0xa0: {  	v18 =	vld.idx.msk [tilespmem:v9+s12+$0x0], $0xffff;
	[tilespmem:s1+$0xDC00] =	vst v6;
	v6 =	vor.u32 $0xC, v0  }
0xa1: {  	v19 =	vshll.u32 v7, $0x4;
	v20 =	vld.idx.msk [tilespmem:v14+s12+$0x0], $0xffff;
	[tilespmem:s8+$0xDE80] =	vst v12;
	s8 =	smov.u32 s3;
	s3 =	smov.u32 s1;
	s1 =	smov.u32 s9  }
0xa2: {  	v12 =	vor.u32 $0x5, v4;
	s9 =	smov.u32 s13;
	s13 =	smov.u32 s23;
	[tilespmem:s23+$0x3C80] =	vst v13;
	v21 =	vld.idx.msk [tilespmem:v8+s12+$0x0], $0xffff  }
0xa3: {  	v8 =	vor.u32 $0xA, v2;
	v22 =	vld.idx.msk [tilespmem:v16+s12+$0x0], $0xffff;
	[tilespmem:s1+$0x3F00] =	vst v15  }
0xa4: {  	v23 =	vld.idx.msk [tilespmem:v17+s12+$0x0], $0xffff;
	[tilespmem:s8+$0xDD80] =	vst v10;
	v10 =	vor.u32 $0xF, v1;
	v7 =	vmovc v11;
	v1 =	vmovc v0;
	v0 =	vmov v2;
	v2 =	vmov v3  }
0xa5: {  	v17 =	vor.u32 $0x3, v5;
	v3 =	vmovc v4;
	v4 =	vmov v5;
	v5 =	vmov v19;
	v9 =	vld.idx.msk [tilespmem:v6+s12+$0x0], $0xffff  }
.Ltmp0:
0xa6: {  	v13 =	vor.u32 $0x8, v2;
	v16 =	vld.idx.msk [tilespmem:v19+s12+$0x0], $0xffff;
	[tilespmem:s9+$0x3E00] =	vst v18;
	(pc) =	sbr.rel @p1 .LBB2_3-.Ltmp0, $4  }
0xa7: {  	s14 =	sadd.s32 $0x10, s14;
	v14 =	vld.idx.msk [tilespmem:v12+s12+$0x0], $0xffff;
	[tilespmem:s3+$0xDC80] =	vst v20;
	v12 =	vor.u32 $0xD, v1  }
0xa8: {  	v18 =	vor.u32 $0x1, v5;
	v8 =	vld.idx.msk [tilespmem:v8+s12+$0x0], $0xffff;
	[tilespmem:s14+$0x0] =	vst v21  }
0xa9: {  	s23 =	sshll.u32 s28, $0x7;
	s28 =	smov.u32 s22;
	v15 =	vor.u32 $0x6, v3;
	[tilespmem:s13+$0x3D00] =	vst v22;
	v11 =	vld.idx.msk [tilespmem:v10+s12+$0x0], $0xffff  }
0xaa: {  	s22 =	sadd.s32 $0x1, s22;
	s23 =	sand.u32 $0xFFFFFC00, s23;
	v10 =	vor.u32 $0xB, v0;
	v17 =	vld.idx.msk [tilespmem:v17+s12+$0x0], $0xffff;
	[tilespmem:s1+$0x3F80] =	vst v23  }
0xab: {  	v6 =	vshll.u32 v7, $0x4;
	_ =	sdelay $0x4  }
0xac: {  	v7 =	vld.idx.msk [tilespmem:v6+s12+$0x0], $0xffff  }
0xad: {  	v19 =	vor.u32 $0x1, v6  }
0xae: {  	s18 =	sshll.u32 s28, $0x7  }
0xaf: {  	s28 =	sor.u32 s16, s23;
	s22 =	sand.u32 $0xFFFFFC00, s18  }
0xb0: {  	[tilespmem:s28+$0x3C00] =	vst v16;
	s16 =	sor.u32 s19, s22  }
0xb1: {  	v16 =	vld.idx.msk [tilespmem:v18+s12+$0x0], $0xffff;
	[tilespmem:s16+$0x3C00] =	vst v7  }
0xb2: {  	v36 =	vor.u32 $0x2, v5;
	v37 =	vld.idx.msk [tilespmem:v19+s12+$0x0], $0xffff  }
0xb3: {  	v38 =	vor.u32 $0x2, v6;
	_ =	sdelay $0x2  }
0xb4: {  	[tilespmem:s28+$0x3C80] =	vst v16  }
0xb5: {  	v7 =	vld.idx.msk [tilespmem:v36+s12+$0x0], $0xffff;
	[tilespmem:s16+$0x3C80] =	vst v37  }
0xb6: {  	v39 =	vor.u32 $0x3, v5;
	v18 =	vld.idx.msk [tilespmem:v38+s12+$0x0], $0xffff  }
0xb7: {  	v40 =	vor.u32 $0x3, v6;
	_ =	sdelay $0x2  }
0xb8: {  	[tilespmem:s28+$0x3D00] =	vst v7  }
0xb9: {  	v41 =	vor.u32 $0x4, v4;
	v16 =	vld.idx.msk [tilespmem:v39+s12+$0x0], $0xffff;
	[tilespmem:s16+$0x3D00] =	vst v18  }
0xba: {  	v42 =	vor.u32 $0x4, v5;
	v19 =	vld.idx.msk [tilespmem:v40+s12+$0x0], $0xffff  }
0xbb: {  	v20 =	vor.u32 $0x4, v6;
	_ =	sdelay $0x1  }
0xbc: {  	[tilespmem:s13+$0x3D80] =	vst v17  }
0xbd: {  	v7 =	vld.idx.msk [tilespmem:v41+s12+$0x0], $0xffff;
	[tilespmem:s28+$0x3D80] =	vst v16  }
0xbe: {  	v43 =	vor.u32 $0x5, v4;
	v44 =	vld.idx.msk [tilespmem:v42+s12+$0x0], $0xffff;
	[tilespmem:s16+$0x3D80] =	vst v19  }
0xbf: {  	v45 =	vor.u32 $0x5, v5;
	v19 =	vld.idx.msk [tilespmem:v20+s12+$0x0], $0xffff  }
0xc0: {  	v46 =	vor.u32 $0x5, v6;
	_ =	sdelay $0x1  }
0xc1: {  	[tilespmem:s13+$0x3E00] =	vst v7  }
0xc2: {  	v7 =	vld.idx.msk [tilespmem:v43+s12+$0x0], $0xffff;
	[tilespmem:s28+$0x3E00] =	vst v44  }
0xc3: {  	v47 =	vor.u32 $0x6, v4;
	v17 =	vld.idx.msk [tilespmem:v45+s12+$0x0], $0xffff;
	[tilespmem:s16+$0x3E00] =	vst v19  }
0xc4: {  	v48 =	vor.u32 $0x6, v5;
	v19 =	vld.idx.msk [tilespmem:v46+s12+$0x0], $0xffff  }
0xc5: {  	v49 =	vor.u32 $0x6, v6  }
0xc6: {  	[tilespmem:s9+$0x3E80] =	vst v14  }
0xc7: {  	v14 =	vld.idx.msk [tilespmem:v15+s12+$0x0], $0xffff;
	[tilespmem:s13+$0x3E80] =	vst v7  }
0xc8: {  	v50 =	vor.u32 $0x7, v3;
	v51 =	vld.idx.msk [tilespmem:v47+s12+$0x0], $0xffff;
	[tilespmem:s28+$0x3E80] =	vst v17  }
0xc9: {  	v52 =	vor.u32 $0x7, v4;
	v17 =	vld.idx.msk [tilespmem:v48+s12+$0x0], $0xffff;
	[tilespmem:s16+$0x3E80] =	vst v19  }
0xca: {  	v53 =	vor.u32 $0x7, v5;
	v19 =	vld.idx.msk [tilespmem:v49+s12+$0x0], $0xffff  }
0xcb: {  	[tilespmem:s8+$0xDE00] =	vst v9;
	v54 =	vor.u32 $0x7, v6  }
0xcc: {  	[tilespmem:s9+$0x3F00] =	vst v14  }
0xcd: {  	v7 =	vld.idx.msk [tilespmem:v50+s12+$0x0], $0xffff;
	[tilespmem:s13+$0x3F00] =	vst v51  }
0xce: {  	v55 =	vor.u32 $0x8, v3;
	v15 =	vld.idx.msk [tilespmem:v52+s12+$0x0], $0xffff;
	[tilespmem:s28+$0x3F00] =	vst v17  }
0xcf: {  	v56 =	vor.u32 $0x8, v4;
	v17 =	vld.idx.msk [tilespmem:v53+s12+$0x0], $0xffff;
	[tilespmem:s16+$0x3F00] =	vst v19  }
0xd0: {  	s17 =	sadd.s32 $0x10, s17;
	v57 =	vor.u32 $0x8, v5;
	[tilespmem:s3+$0xDD00] =	vst v8;
	v9 =	vld.idx.msk [tilespmem:v54+s12+$0x0], $0xffff  }
0xd1: {  	v13 =	vld.idx.msk [tilespmem:v13+s12+$0x0], $0xffff;
	v58 =	vor.u32 $0x8, v6;
	[tilespmem:s17+$0x0] =	vst v11  }
0xd2: {  	v12 =	vld.idx.msk [tilespmem:v12+s12+$0x0], $0xffff;
	[tilespmem:s9+$0x3F80] =	vst v7  }
0xd3: {  	v59 =	vor.u32 $0x9, v2;
	v14 =	vld.idx.msk [tilespmem:v55+s12+$0x0], $0xffff;
	[tilespmem:s13+$0x3F80] =	vst v15  }
0xd4: {  	v60 =	vor.u32 $0x9, v3;
	v16 =	vld.idx.msk [tilespmem:v56+s12+$0x0], $0xffff;
	[tilespmem:s28+$0x3F80] =	vst v17  }
0xd5: {  	v61 =	vor.u32 $0x9, v4;
	v8 =	vld.idx.msk [tilespmem:v57+s12+$0x0], $0xffff;
	[tilespmem:s16+$0x3F80] =	vst v9  }
0xd6: {  	v62 =	vor.u32 $0x9, v5;
	[tilespmem:s1+$0xDC00] =	vst v13;
	v11 =	vld.idx.msk [tilespmem:v58+s12+$0x0], $0xffff  }
0xd7: {  	v63 =	vor.u32 $0x9, v6;
	v10 =	vld.idx.msk [tilespmem:v10+s12+$0x0], $0xffff;
	[tilespmem:s8+$0xDE80] =	vst v12  }
0xd8: {  	v27 =	vor.u32 $0xC, v0;
	v7 =	vld.idx.msk [tilespmem:v59+s12+$0x0], $0xffff;
	[tilespmem:s9+$0xDC00] =	vst v14  }
0xd9: {  	v21 =	vor.u32 $0xA, v2;
	v15 =	vld.idx.msk [tilespmem:v60+s12+$0x0], $0xffff;
	[tilespmem:s13+$0xDC00] =	vst v16  }
0xda: {  	v22 =	vor.u32 $0xA, v3;
	v17 =	vld.idx.msk [tilespmem:v61+s12+$0x0], $0xffff;
	[tilespmem:s28+$0xDC00] =	vst v8  }
0xdb: {  	v23 =	vor.u32 $0xA, v4;
	v9 =	vld.idx.msk [tilespmem:v62+s12+$0x0], $0xffff;
	[tilespmem:s16+$0xDC00] =	vst v11  }
0xdc: {  	v24 =	vor.u32 $0xA, v5;
	[tilespmem:s3+$0xDD80] =	vst v10;
	v11 =	vld.idx.msk [tilespmem:v63+s12+$0x0], $0xffff  }
0xdd: {  	v26 =	vor.u32 $0xA, v6;
	v32 =	vld.idx.msk [tilespmem:v27+s12+$0x0], $0xffff;
	[tilespmem:s1+$0xDC80] =	vst v7  }
0xde: {  	v20 =	vor.u32 $0xE, v1;
	v14 =	vld.idx.msk [tilespmem:v21+s12+$0x0], $0xffff;
	[tilespmem:s9+$0xDC80] =	vst v15  }
0xdf: {  	v28 =	vor.u32 $0xB, v2;
	v16 =	vld.idx.msk [tilespmem:v22+s12+$0x0], $0xffff;
	[tilespmem:s13+$0xDC80] =	vst v17  }
0xe0: {  	v29 =	vor.u32 $0xB, v3;
	v8 =	vld.idx.msk [tilespmem:v23+s12+$0x0], $0xffff;
	[tilespmem:s28+$0xDC80] =	vst v9  }
0xe1: {  	v30 =	vor.u32 $0xB, v4;
	v10 =	vld.idx.msk [tilespmem:v24+s12+$0x0], $0xffff;
	[tilespmem:s16+$0xDC80] =	vst v11  }
0xe2: {  	v31 =	vor.u32 $0xB, v5;
	[tilespmem:s3+$0xDE00] =	vst v32;
	v7 =	vld.idx.msk [tilespmem:v26+s12+$0x0], $0xffff  }
0xe3: {  	v33 =	vor.u32 $0xB, v6;
	v25 =	vld.idx.msk [tilespmem:v20+s12+$0x0], $0xffff;
	[tilespmem:s1+$0xDD00] =	vst v14  }
0xe4: {  	v34 =	vor.u32 $0xF, v1;
	v14 =	vld.idx.msk [tilespmem:v28+s12+$0x0], $0xffff;
	[tilespmem:s9+$0xDD00] =	vst v16  }
0xe5: {  	v35 =	vor.u32 $0xC, v2;
	v16 =	vld.idx.msk [tilespmem:v29+s12+$0x0], $0xffff;
	[tilespmem:s13+$0xDD00] =	vst v8  }
0xe6: {  	v36 =	vor.u32 $0xC, v3;
	v9 =	vld.idx.msk [tilespmem:v30+s12+$0x0], $0xffff;
	[tilespmem:s28+$0xDD00] =	vst v10  }
0xe7: {  	s23 =	sadd.s32 $0x10, s14;
	v37 =	vor.u32 $0xC, v4;
	v11 =	vld.idx.msk [tilespmem:v31+s12+$0x0], $0xffff;
	[tilespmem:s16+$0xDD00] =	vst v7  }
0xe8: {  	v38 =	vor.u32 $0xC, v5;
	[tilespmem:s23+$0x0] =	vst v25;
	v39 =	vld.idx.msk [tilespmem:v33+s12+$0x0], $0xffff  }
0xe9: {  	v40 =	vor.u32 $0xC, v6;
	v1 =	vld.idx.msk [tilespmem:v34+s12+$0x0], $0xffff;
	[tilespmem:s1+$0xDD80] =	vst v14  }
0xea: {  	v41 =	vor.u32 $0xD, v0;
	v15 =	vld.idx.msk [tilespmem:v35+s12+$0x0], $0xffff;
	[tilespmem:s9+$0xDD80] =	vst v16  }
0xeb: {  	v42 =	vor.u32 $0xD, v2;
	v8 =	vld.idx.msk [tilespmem:v36+s12+$0x0], $0xffff;
	[tilespmem:s13+$0xDD80] =	vst v9  }
0xec: {  	v43 =	vor.u32 $0xD, v3;
	v10 =	vld.idx.msk [tilespmem:v37+s12+$0x0], $0xffff;
	[tilespmem:s28+$0xDD80] =	vst v11  }
0xed: {  	s24 =	sadd.s32 $0x10, s17;
	v44 =	vor.u32 $0xD, v4;
	v7 =	vld.idx.msk [tilespmem:v38+s12+$0x0], $0xffff;
	[tilespmem:s16+$0xDD80] =	vst v39  }
0xee: {  	v45 =	vor.u32 $0xD, v5;
	[tilespmem:s24+$0x0] =	vst v1;
	v12 =	vld.idx.msk [tilespmem:v40+s12+$0x0], $0xffff  }
0xef: {  	v47 =	vor.u32 $0xD, v6;
	v46 =	vld.idx.msk [tilespmem:v41+s12+$0x0], $0xffff;
	[tilespmem:s1+$0xDE00] =	vst v15  }
0xf0: {  	v48 =	vor.u32 $0xE, v0;
	v16 =	vld.idx.msk [tilespmem:v42+s12+$0x0], $0xffff;
	[tilespmem:s9+$0xDE00] =	vst v8  }
0xf1: {  	v49 =	vor.u32 $0xE, v2;
	v9 =	vld.idx.msk [tilespmem:v43+s12+$0x0], $0xffff;
	[tilespmem:s13+$0xDE00] =	vst v10  }
0xf2: {  	v50 =	vor.u32 $0xE, v3;
	v11 =	vld.idx.msk [tilespmem:v44+s12+$0x0], $0xffff;
	[tilespmem:s28+$0xDE00] =	vst v7  }
0xf3: {  	v51 =	vor.u32 $0xE, v4;
	v1 =	vld.idx.msk [tilespmem:v45+s12+$0x0], $0xffff;
	[tilespmem:s16+$0xDE00] =	vst v12  }
0xf4: {  	v52 =	vor.u32 $0xE, v5;
	[tilespmem:s3+$0xDE80] =	vst v46;
	v53 =	vld.idx.msk [tilespmem:v47+s12+$0x0], $0xffff  }
0xf5: {  	v55 =	vor.u32 $0xE, v6;
	v54 =	vld.idx.msk [tilespmem:v48+s12+$0x0], $0xffff;
	[tilespmem:s1+$0xDE80] =	vst v16  }
0xf6: {  	v56 =	vor.u32 $0xF, v0;
	v8 =	vld.idx.msk [tilespmem:v49+s12+$0x0], $0xffff;
	[tilespmem:s9+$0xDE80] =	vst v9  }
0xf7: {  	v57 =	vor.u32 $0xF, v2;
	v9 =	vld.idx.msk [tilespmem:v50+s12+$0x0], $0xffff;
	[tilespmem:s13+$0xDE80] =	vst v11  }
0xf8: {  	v58 =	vor.u32 $0xF, v3;
	v7 =	vld.idx.msk [tilespmem:v51+s12+$0x0], $0xffff;
	[tilespmem:s28+$0xDE80] =	vst v1  }
0xf9: {  	s8 =	sadd.s32 $0x10, s23;
	v59 =	vor.u32 $0xF, v4;
	v60 =	vld.idx.msk [tilespmem:v52+s12+$0x0], $0xffff;
	[tilespmem:s16+$0xDE80] =	vst v53  }
0xfa: {  	v61 =	vor.u32 $0xF, v5;
	[tilespmem:s8+$0x0] =	vst v54;
	s1 =	sadd.s32 $0x10, s8;
	v62 =	vld.idx.msk [tilespmem:v55+s12+$0x0], $0xffff  }
0xfb: {  	v6 =	vor.u32 $0xF, v6;
	v0 =	vld.idx.msk [tilespmem:v56+s12+$0x0], $0xffff;
	[tilespmem:s1+$0x0] =	vst v8;
	s1 =	sadd.s32 $0x10, s1  }
0xfc: {  	v2 =	vld.idx.msk [tilespmem:v57+s12+$0x0], $0xffff;
	[tilespmem:s1+$0x0] =	vst v9;
	s1 =	sadd.s32 $0x10, s1  }
0xfd: {  	v3 =	vld.idx.msk [tilespmem:v58+s12+$0x0], $0xffff;
	[tilespmem:s1+$0x0] =	vst v7;
	s1 =	sadd.s32 $0x10, s1  }
0xfe: {  	v1 =	vld.idx.msk [tilespmem:v59+s12+$0x0], $0xffff;
	[tilespmem:s1+$0x0] =	vst v60;
	s1 =	sadd.s32 $0x10, s1  }
0xff: {  	s9 =	sadd.s32 $0x10, s24;
	v4 =	vld.idx.msk [tilespmem:v61+s12+$0x0], $0xffff;
	[tilespmem:s1+$0x0] =	vst v62  }
0x100: {  	[tilespmem:s9+$0x0] =	vst v0;
	s13 =	sadd.s32 $0x10, s9;
	v63 =	vld.idx.msk [tilespmem:v6+s12+$0x0], $0xffff  }
0x101: {  	[tilespmem:s13+$0x0] =	vst v2;
	s1 =	sadd.s32 $0x10, s13  }
0x102: {  	[tilespmem:s1+$0x0] =	vst v3;
	s1 =	sadd.s32 $0x10, s1  }
0x103: {  	s14 =	smul.u32 $0x140, s11;
	[tilespmem:s1+$0x0] =	vst v1;
	s1 =	sadd.s32 $0x10, s1  }
0x104: {  	[tilespmem:s1+$0x0] =	vst v4;
	s1 =	sadd.s32 $0x10, s1  }
0x105: {  	p1 =	sne.s32 s29, $0x13;
	s17 =	simm.s32 $0x1400;
	s16 =	sadd.s32 s2, s14;
	[tilespmem:s1+$0x0] =	vst v63  }
0x106: {  	[hbm4b:s16+s6] =	stream.linear.scatter [tilespmem:s17], [sflag:$0x3], $0xA00, $0x38;
	[tilespmem:$0x18160] =	vst v63  }
0x107: {  	s18 =	sadd.s32 s4, s14;
	s19 =	smul.u32 $0x5000, s11;
	s22 =	simm.s32 $0x2800  }
0x108: {  	[hbm4b:s18+s6] =	stream.linear.scatter [tilespmem:s22], [sflag:$0x3], $0xA00, $0x38;
	[tilespmem:$0x18160] =	vst v63  }
.Ltmp1:
0x109: {  	s23 =	sshrl.u32 s19, $0x3;
	(pc) =	sbr.rel @p1 .LBB2_6-.Ltmp1, $4  }
0x10a: {  	s24 =	simm.s32 $0x3C00;
	s1 =	sadd.s32 s5, s23  }
0x10b: {  	[hbm4b:s1+s6] =	stream.linear.scatter [tilespmem:s24], [sflag:$0x3], $0x5000, $0x38;
	[tilespmem:$0x18160] =	vst v63  }
0x10c: {  	s28 =	simm.s32 $0xDC00;
	s1 =	sadd.s32 $0x30D400, s1  }
0x10d: {  	[hbm4b:s1+s6] =	stream.linear.scatter [tilespmem:s28], [sflag:$0x3], $0x5000, $0x38;
	[tilespmem:$0x18160] =	vst v63  }
.Ltmp2:
0x10e: {  	(pc) =	sbr.rel .LBB2_7-.Ltmp2, $4  }
0x10f: {  	_ = 	snop  }
0x110: {  	_ =	swait.ge [sflag:s20], $0xA00  }
0x111: {  	[sflag:s20] =	ssyncset.done $0x0  }
0x112: {  	[sflag:s20] =	ssyncadd.s32 $0xFFFFF600  }
.LBB2_6:
0x113: {  	s1 =	smul.u32 $0x140, s7;
	_ =	sdelay $0x1  }
.Ltmp3:
0x114: {  	s1 =	sadd.s32 s0, s1;
	(pc) =	sbr.rel @p0 .LBB2_8-.Ltmp3, $4  }
0x115: {  	[tilespmem:s6], [sflag:$0x1] =	stream.linear.gather [hbm4b:s1+s6], $0xA00, $0x38;
	[tilespmem:$0x18160] =	vst v63  }
0x116: {  	_ =	swait.ge [sflag:s20], $0xA00  }
0x117: {  	[sflag:s20] =	ssyncset.done $0x0  }
0x118: {  	[sflag:s20] =	ssyncadd.s32 $0xFFFFF600  }
.LBB2_7:
0x119: {  	_ =	swait.ge [sflag:s21], $0xA00  }
0x11a: {  	[sflag:s21] =	ssyncset.done $0x0  }
0x11b: {  	[sflag:s21] =	ssyncadd.s32 $0xFFFFF600  }
0x11c: {  	_ =	swait.ge [sflag:s21], $0xA00  }
0x11d: {  	[sflag:s21] =	ssyncset.done $0x0  }
0x11e: {  	[sflag:s21] =	ssyncadd.s32 $0xFFFFF600  }
0x11f: {  	_ =	swait.ge [sflag:s21], $0x5000  }
0x120: {  	[sflag:s21] =	ssyncset.done $0x0  }
0x121: {  	[sflag:s21] =	ssyncadd.s32 $0xFFFFB000  }
0x122: {  	_ =	swait.ge [sflag:s21], $0x5000  }
0x123: {  	[sflag:s21] =	ssyncset.done $0x0  }
0x124: {  	[sflag:s21] =	ssyncadd.s32 $0xFFFFB000  }
.LBB2_8:
0x125: {  	s1 =	simm.s32 $0x0;
	s3 =	simm.s32 $0x0  }
0x126: {  	s1 =	sand.u32 $0x70, s1;
	s3 =	sand.u32 $0x3FFFFF80, s3  }
0x127: {  	s3 =	sor.u32 s1, s3  }
0x128: {  	v0 =	vld [tilespmem:s3+$0xA00];
	_ =	sdelay $0x4  }
0x129: {  	v5 =	vshll.u32 v0, $0x4;
	_ =	sdelay $0x4  }
0x12a: {  	v0 =	vld.idx.msk [tilespmem:v5+s12+$0x0], $0xffff  }
0x12b: {  	v1 =	vor.u32 $0x1, v5  }
0x12c: {  	s19 =	simm.s32 $0x10;
	s7 =	simm.s32 $0x10;
	s8 =	simm.s32 $0x0  }
0x12d: {  	s9 =	sand.u32 $0x70, s7;
	s22 =	sand.u32 $0xFFFFFC00, s8;
	s3 =	sand.u32 $0x3FFFFF80, s19  }
0x12e: {  	s7 =	sor.u32 s1, s22;
	s3 =	sor.u32 s9, s3  }
0x12f: {  	v2 =	vld [tilespmem:s3+$0xA00];
	[tilespmem:s7+$0x8C00] =	vst v0  }
0x130: {  	v0 =	vld.idx.msk [tilespmem:v1+s12+$0x0], $0xffff  }
0x131: {  	v1 =	vor.u32 $0x2, v5;
	_ =	sdelay $0x2  }
0x132: {  	v6 =	vshll.u32 v2, $0x4  }
0x133: {  	[tilespmem:s7+$0x8C80] =	vst v0  }
0x134: {  	v0 =	vld.idx.msk [tilespmem:v1+s12+$0x0], $0xffff  }
0x135: {  	v1 =	vor.u32 $0x3, v5;
	_ =	sdelay $0x1  }
0x136: {  	v2 =	vld.idx.msk [tilespmem:v6+s12+$0x0], $0xffff  }
0x137: {  	s23 =	simm.s32 $0x20;
	s24 =	simm.s32 $0x20;
	v3 =	vor.u32 $0x1, v6  }
0x138: {  	s28 =	simm.s32 $0x80;
	s1 =	sand.u32 $0x3FFFFF80, s23;
	s3 =	sand.u32 $0x70, s24;
	[tilespmem:s7+$0x8D00] =	vst v0  }
0x139: {  	s8 =	sand.u32 $0xFFFFFC00, s28;
	s1 =	sor.u32 s3, s1;
	v0 =	vld.idx.msk [tilespmem:v1+s12+$0x0], $0xffff  }
0x13a: {  	s11 =	sor.u32 s9, s8;
	v4 =	vor.u32 $0x4, v5;
	v1 =	vld [tilespmem:s1+$0xA00]  }
0x13b: {  	[tilespmem:s11+$0x8C00] =	vst v2  }
0x13c: {  	v2 =	vld.idx.msk [tilespmem:v3+s12+$0x0], $0xffff  }
0x13d: {  	v3 =	vor.u32 $0x2, v6  }
0x13e: {  	[tilespmem:s7+$0x8D80] =	vst v0  }
0x13f: {  	v1 =	vshll.u32 v1, $0x4;
	v0 =	vld.idx.msk [tilespmem:v4+s12+$0x0], $0xffff  }
0x140: {  	v4 =	vor.u32 $0x5, v5  }
0x141: {  	[tilespmem:s11+$0x8C80] =	vst v2  }
0x142: {  	v2 =	vld.idx.msk [tilespmem:v3+s12+$0x0], $0xffff  }
0x143: {  	v3 =	vor.u32 $0x3, v6  }
0x144: {  	v7 =	vld.idx.msk [tilespmem:v1+s12+$0x0], $0xffff;
	[tilespmem:s7+$0x8E00] =	vst v0  }
0x145: {  	v0 =	vld.idx.msk [tilespmem:v4+s12+$0x0], $0xffff;
	v4 =	vor.u32 $0x1, v1  }
0x146: {  	s14 =	simm.s32 $0x30;
	s16 =	simm.s32 $0x100;
	s9 =	simm.s32 $0x30;
	v8 =	vor.u32 $0x6, v5  }
0x147: {  	s13 =	sand.u32 $0x70, s14;
	s17 =	sand.u32 $0xFFFFFC00, s16;
	s1 =	sand.u32 $0x3FFFFF80, s9;
	[tilespmem:s11+$0x8D00] =	vst v2  }
0x148: {  	s8 =	sor.u32 s3, s17;
	s1 =	sor.u32 s13, s1;
	v2 =	vld.idx.msk [tilespmem:v3+s12+$0x0], $0xffff  }
0x149: {  	v3 =	vld [tilespmem:s1+$0xA00];
	[tilespmem:s8+$0x8C00] =	vst v7;
	v7 =	vor.u32 $0x4, v6  }
0x14a: {  	v4 =	vld.idx.msk [tilespmem:v4+s12+$0x0], $0xffff;
	[tilespmem:s7+$0x8E80] =	vst v0  }
0x14b: {  	v9 =	vor.u32 $0x2, v1;
	v8 =	vld.idx.msk [tilespmem:v8+s12+$0x0], $0xffff  }
0x14c: {  	v10 =	vor.u32 $0x7, v5  }
0x14d: {  	[tilespmem:s11+$0x8D80] =	vst v2  }
0x14e: {  	v0 =	vshll.u32 v3, $0x4;
	v2 =	vld.idx.msk [tilespmem:v7+s12+$0x0], $0xffff  }
0x14f: {  	v3 =	vor.u32 $0x5, v6;
	[tilespmem:s8+$0x8C80] =	vst v4  }
0x150: {  	v4 =	vld.idx.msk [tilespmem:v9+s12+$0x0], $0xffff;
	[tilespmem:s7+$0x8F00] =	vst v8  }
0x151: {  	v8 =	vor.u32 $0x3, v1;
	v7 =	vld.idx.msk [tilespmem:v10+s12+$0x0], $0xffff  }
0x152: {  	s18 =	simm.s32 $0x40;
	s19 =	simm.s32 $0x40;
	v9 =	vor.u32 $0x8, v5  }
0x153: {  	s14 =	sand.u32 $0x70, s19;
	s1 =	sand.u32 $0x3FFFFF80, s18;
	v10 =	vld.idx.msk [tilespmem:v0+s12+$0x0], $0xffff;
	[tilespmem:s11+$0x8E00] =	vst v2  }
0x154: {  	s1 =	sor.u32 s14, s1;
	v2 =	vld.idx.msk [tilespmem:v3+s12+$0x0], $0xffff;
	v3 =	vor.u32 $0x1, v0  }
0x155: {  	s22 =	simm.s32 $0x180;
	v11 =	vld [tilespmem:s1+$0xA00];
	[tilespmem:s8+$0x8D00] =	vst v4;
	v4 =	vor.u32 $0x6, v6  }
0x156: {  	s1 =	sand.u32 $0xFFFFFC00, s22;
	v8 =	vld.idx.msk [tilespmem:v8+s12+$0x0], $0xffff;
	[tilespmem:s7+$0x8F80] =	vst v7  }
0x157: {  	s3 =	sor.u32 s13, s1;
	v7 =	vld.idx.msk [tilespmem:v9+s12+$0x0], $0xffff;
	v9 =	vor.u32 $0x4, v1  }
0x158: {  	[tilespmem:s3+$0x8C00] =	vst v10;
	v10 =	vor.u32 $0x9, v5  }
0x159: {  	v3 =	vld.idx.msk [tilespmem:v3+s12+$0x0], $0xffff;
	[tilespmem:s11+$0x8E80] =	vst v2  }
0x15a: {  	v12 =	vor.u32 $0x2, v0;
	v4 =	vld.idx.msk [tilespmem:v4+s12+$0x0], $0xffff  }
0x15b: {  	[tilespmem:s8+$0x8D80] =	vst v8;
	v8 =	vor.u32 $0x7, v6  }
0x15c: {  	v2 =	vshll.u32 v11, $0x4;
	v9 =	vld.idx.msk [tilespmem:v9+s12+$0x0], $0xffff;
	[tilespmem:s7+$0x12C00] =	vst v7  }
0x15d: {  	v7 =	vld.idx.msk [tilespmem:v10+s12+$0x0], $0xffff;
	v10 =	vor.u32 $0x5, v1  }
0x15e: {  	[tilespmem:s3+$0x8C80] =	vst v3  }
0x15f: {  	v3 =	vor.u32 $0xA, v5;
	v11 =	vld.idx.msk [tilespmem:v12+s12+$0x0], $0xffff;
	[tilespmem:s11+$0x8F00] =	vst v4  }
0x160: {  	s23 =	simm.s32 $0x50;
	s24 =	simm.s32 $0x50;
	v4 =	vld.idx.msk [tilespmem:v8+s12+$0x0], $0xffff;
	v8 =	vor.u32 $0x3, v0  }
0x161: {  	s9 =	sand.u32 $0x70, s24;
	s1 =	sand.u32 $0x3FFFFF80, s23;
	v12 =	vld.idx.msk [tilespmem:v2+s12+$0x0], $0xffff;
	[tilespmem:s8+$0x8E00] =	vst v9;
	v9 =	vor.u32 $0x8, v6  }
0x162: {  	s1 =	sor.u32 s9, s1;
	v10 =	vld.idx.msk [tilespmem:v10+s12+$0x0], $0xffff;
	[tilespmem:s7+$0x12C80] =	vst v7;
	v7 =	vor.u32 $0x1, v2  }
0x163: {  	s28 =	simm.s32 $0x200;
	v13 =	vor.u32 $0x6, v1;
	v14 =	vld [tilespmem:s1+$0xA00]  }
0x164: {  	s16 =	sand.u32 $0xFFFFFC00, s28;
	v3 =	vld.idx.msk [tilespmem:v3+s12+$0x0], $0xffff;
	[tilespmem:s3+$0x8D00] =	vst v11  }
0x165: {  	s1 =	sor.u32 s14, s16;
	v11 =	vor.u32 $0xB, v5;
	v8 =	vld.idx.msk [tilespmem:v8+s12+$0x0], $0xffff;
	[tilespmem:s11+$0x8F80] =	vst v4  }
0x166: {  	s17 =	simm.s32 $0x60;
	s18 =	simm.s32 $0x60;
	[tilespmem:s1+$0x8C00] =	vst v12;
	v4 =	vld.idx.msk [tilespmem:v9+s12+$0x0], $0xffff;
	v9 =	vor.u32 $0x4, v0  }
0x167: {  	s13 =	sand.u32 $0x3FFFFF80, s17;
	s14 =	sand.u32 $0x70, s18;
	v7 =	vld.idx.msk [tilespmem:v7+s12+$0x0], $0xffff;
	[tilespmem:s8+$0x8E80] =	vst v10;
	v10 =	vor.u32 $0x9, v6  }
0x168: {  	s13 =	sor.u32 s14, s13;
	v12 =	vld.idx.msk [tilespmem:v13+s12+$0x0], $0xffff;
	v13 =	vor.u32 $0x2, v2  }
0x169: {  	v15 =	vor.u32 $0x7, v1;
	v16 =	vld [tilespmem:s13+$0xA00];
	[tilespmem:s7+$0x12D00] =	vst v3  }
0x16a: {  	v3 =	vshll.u32 v14, $0x4;
	v11 =	vld.idx.msk [tilespmem:v11+s12+$0x0], $0xffff;
	[tilespmem:s3+$0x8D80] =	vst v8  }
0x16b: {  	v8 =	vor.u32 $0xC, v5;
	v9 =	vld.idx.msk [tilespmem:v9+s12+$0x0], $0xffff;
	[tilespmem:s11+$0x12C00] =	vst v4  }
0x16c: {  	v4 =	vld.idx.msk [tilespmem:v10+s12+$0x0], $0xffff;
	[tilespmem:s1+$0x8C80] =	vst v7;
	v7 =	vor.u32 $0x5, v0  }
0x16d: {  	v10 =	vld.idx.msk [tilespmem:v13+s12+$0x0], $0xffff;
	[tilespmem:s8+$0x8F00] =	vst v12  }
0x16e: {  	s19 =	simm.s32 $0x280;
	v12 =	vor.u32 $0xA, v6;
	v13 =	vld.idx.msk [tilespmem:v15+s12+$0x0], $0xffff  }
0x16f: {  	s22 =	simm.s32 $0x70;
	s16 =	simm.s32 $0x70;
	s13 =	sand.u32 $0xFFFFFC00, s19;
	[tilespmem:s7+$0x12D80] =	vst v11;
	v11 =	vor.u32 $0x3, v2;
	v15 =	vld.idx.msk [tilespmem:v3+s12+$0x0], $0xffff  }
0x170: {  	s16 =	sand.u32 $0x3FFFFF80, s16;
	s9 =	sor.u32 s9, s13;
	s13 =	sand.u32 $0x70, s22;
	v14 =	vor.u32 $0x8, v1;
	v8 =	vld.idx.msk [tilespmem:v8+s12+$0x0], $0xffff;
	[tilespmem:s3+$0x8E00] =	vst v9  }
0x171: {  	s16 =	sor.u32 s13, s16;
	v9 =	vor.u32 $0xD, v5;
	v7 =	vld.idx.msk [tilespmem:v7+s12+$0x0], $0xffff;
	[tilespmem:s11+$0x12C80] =	vst v4  }
0x172: {  	v18 =	vld [tilespmem:s16+$0xA00];
	v4 =	vor.u32 $0x1, v3;
	[tilespmem:s1+$0x8D00] =	vst v10  }
0x173: {  	v12 =	vld.idx.msk [tilespmem:v12+s12+$0x0], $0xffff;
	v10 =	vor.u32 $0x6, v0;
	[tilespmem:s8+$0x8F80] =	vst v13  }
0x174: {  	v11 =	vld.idx.msk [tilespmem:v11+s12+$0x0], $0xffff;
	v13 =	vor.u32 $0xB, v6;
	[tilespmem:s9+$0x8C00] =	vst v15  }
0x175: {  	v14 =	vld.idx.msk [tilespmem:v14+s12+$0x0], $0xffff;
	[tilespmem:s7+$0x12E00] =	vst v8;
	v8 =	vor.u32 $0x4, v2  }
0x176: {  	v9 =	vld.idx.msk [tilespmem:v9+s12+$0x0], $0xffff;
	[tilespmem:s3+$0x8E80] =	vst v7;
	v7 =	vor.u32 $0x9, v1  }
0x177: {  	v15 =	vld.idx.msk [tilespmem:v4+s12+$0x0], $0xffff;
	v4 =	vshll.u32 v16, $0x4  }
0x178: {  	v10 =	vld.idx.msk [tilespmem:v10+s12+$0x0], $0xffff;
	[tilespmem:s11+$0x12D00] =	vst v12;
	v12 =	vor.u32 $0xE, v5  }
0x179: {  	v17 =	vor.u32 $0x2, v3;
	v13 =	vld.idx.msk [tilespmem:v13+s12+$0x0], $0xffff;
	[tilespmem:s1+$0x8D80] =	vst v11  }
0x17a: {  	v11 =	vor.u32 $0x7, v0;
	v8 =	vld.idx.msk [tilespmem:v8+s12+$0x0], $0xffff;
	[tilespmem:s8+$0x12C00] =	vst v14  }
0x17b: {  	v14 =	vor.u32 $0xC, v6;
	[tilespmem:s7+$0x12E80] =	vst v9;
	v7 =	vld.idx.msk [tilespmem:v7+s12+$0x0], $0xffff  }
0x17c: {  	v9 =	vor.u32 $0x5, v2;
	[tilespmem:s9+$0x8C80] =	vst v15;
	v16 =	vld.idx.msk [tilespmem:v4+s12+$0x0], $0xffff  }
0x17d: {  	v12 =	vld.idx.msk [tilespmem:v12+s12+$0x0], $0xffff;
	[tilespmem:s3+$0x8F00] =	vst v10;
	v10 =	vor.u32 $0xA, v1  }
0x17e: {  	v5 =	vor.u32 $0xF, v5;
	v15 =	vld.idx.msk [tilespmem:v17+s12+$0x0], $0xffff  }
0x17f: {  	v11 =	vld.idx.msk [tilespmem:v11+s12+$0x0], $0xffff;
	[tilespmem:s11+$0x12D80] =	vst v13;
	v13 =	vor.u32 $0x3, v3  }
0x180: {  	v14 =	vld.idx.msk [tilespmem:v14+s12+$0x0], $0xffff;
	[tilespmem:s1+$0x8E00] =	vst v8;
	v8 =	vor.u32 $0x8, v0  }
0x181: {  	s23 =	simm.s32 $0x1E00;
	v17 =	vor.u32 $0x1, v4;
	v9 =	vld.idx.msk [tilespmem:v9+s12+$0x0], $0xffff;
	[tilespmem:s8+$0x12C80] =	vst v7  }
0x182: {  	s24 =	simm.s32 $0x300;
	v7 =	vor.u32 $0xD, v6;
	v10 =	vld.idx.msk [tilespmem:v10+s12+$0x0], $0xffff;
	[tilespmem:s23+$0x0] =	vst v12  }
0x183: {  	s7 =	sand.u32 $0xFFFFFC00, s24;
	[tilespmem:s9+$0x8D00] =	vst v15;
	v12 =	vor.u32 $0x6, v2;
	v15 =	vld.idx.msk [tilespmem:v5+s12+$0x0], $0xffff  }
0x184: {  	s7 =	sor.u32 s14, s7;
	v5 =	vld.idx.msk [tilespmem:v13+s12+$0x0], $0xffff;
	[tilespmem:s3+$0x8F80] =	vst v11  }
0x185: {  	[tilespmem:s7+$0x8C00] =	vst v16;
	v11 =	vor.u32 $0xB, v1;
	v8 =	vld.idx.msk [tilespmem:v8+s12+$0x0], $0xffff  }
0x186: {  	s28 =	simm.s32 $0x80;
	s16 =	simm.s32 $0x80;
	v13 =	vor.u32 $0x4, v3;
	[tilespmem:s11+$0x12E00] =	vst v14;
	v14 =	vld.idx.msk [tilespmem:v17+s12+$0x0], $0xffff  }
0x187: {  	s17 =	sand.u32 $0x70, s16;
	s14 =	sand.u32 $0x3FFFFF80, s28;
	[tilespmem:s1+$0x8E80] =	vst v9;
	v9 =	vor.u32 $0x9, v0;
	v7 =	vld.idx.msk [tilespmem:v7+s12+$0x0], $0xffff  }
0x188: {  	s14 =	sor.u32 s17, s14;
	v17 =	vor.u32 $0x2, v4;
	v12 =	vld.idx.msk [tilespmem:v12+s12+$0x0], $0xffff  }
0x189: {  	v16 =	vor.u32 $0xE, v6;
	[tilespmem:s8+$0x12D00] =	vst v10;
	v10 =	vld [tilespmem:s14+$0xA00]  }
0x18a: {  	v19 =	vor.u32 $0x7, v2;
	v11 =	vld.idx.msk [tilespmem:v11+s12+$0x0], $0xffff;
	[tilespmem:s9+$0x8D80] =	vst v5  }
0x18b: {  	v5 =	vshll.u32 v18, $0x4;
	v13 =	vld.idx.msk [tilespmem:v13+s12+$0x0], $0xffff;
	[tilespmem:s3+$0x12C00] =	vst v8  }
0x18c: {  	v8 =	vor.u32 $0xC, v1;
	[tilespmem:s7+$0x8C80] =	vst v14;
	v9 =	vld.idx.msk [tilespmem:v9+s12+$0x0], $0xffff  }
0x18d: {  	v18 =	vld.idx.msk [tilespmem:v17+s12+$0x0], $0xffff;
	[tilespmem:s11+$0x12E80] =	vst v7;
	v7 =	vor.u32 $0x5, v3  }
0x18e: {  	v20 =	vor.u32 $0xA, v0;
	s14 =	simm.s32 $0x3200;
	v16 =	vld.idx.msk [tilespmem:v16+s12+$0x0], $0xffff;
	[tilespmem:s1+$0x8F00] =	vst v12  }
0x18f: {  	v21 =	vor.u32 $0x3, v4;
	[tilespmem:s14+$0x0] =	vst v15;
	v19 =	vld.idx.msk [tilespmem:v19+s12+$0x0], $0xffff  }
0x190: {  	v6 =	vor.u32 $0xF, v6;
	[tilespmem:s8+$0x12D80] =	vst v11;
	v17 =	vld.idx.msk [tilespmem:v5+s12+$0x0], $0xffff  }
0x191: {  	v12 =	vld.idx.msk [tilespmem:v8+s12+$0x0], $0xffff;
	[tilespmem:s9+$0x8E00] =	vst v13;
	v13 =	vor.u32 $0x8, v2  }
0x192: {  	v11 =	vor.u32 $0xD, v1;
	[tilespmem:s3+$0x12C80] =	vst v9;
	v14 =	vld.idx.msk [tilespmem:v7+s12+$0x0], $0xffff  }
0x193: {  	s11 =	simm.s32 $0x1E10;
	[tilespmem:s7+$0x8D00] =	vst v18;
	v18 =	vor.u32 $0x1, v5;
	v7 =	vld.idx.msk [tilespmem:v20+s12+$0x0], $0xffff  }
0x194: {  	s22 =	simm.s32 $0x380;
	v15 =	vor.u32 $0x6, v3;
	[tilespmem:s11+$0x0] =	vst v16;
	v16 =	vld.idx.msk [tilespmem:v21+s12+$0x0], $0xffff  }
0x195: {  	s18 =	simm.s32 $0x8;
	s19 =	simm.s32 $0x9;
	s22 =	sand.u32 $0xFFFFFC00, s22;
	v8 =	vor.u32 $0xB, v0;
	v9 =	vld.idx.msk [tilespmem:v6+s12+$0x0], $0xffff;
	[tilespmem:s1+$0x8F80] =	vst v19  }
.LBB2_9:
0x196: {  	p0 =	sne.s32 s19, $0x9F;
	s22 =	sor.u32 s13, s22;
	v6 =	vld.idx.msk [tilespmem:v13+s12+$0x0], $0xffff;
	[tilespmem:s8+$0x12E00] =	vst v12;
	s13 =	smov.u32 s17  }
0x197: {  	v12 =	vor.u32 $0x4, v4;
	[tilespmem:s22+$0x8C00] =	vst v17;
	v11 =	vld.idx.msk [tilespmem:v11+s12+$0x0], $0xffff  }
0x198: {  	s23 =	sshll.u32 s19, $0x4;
	s16 =	sadd.s32 $0x10, s16;
	v13 =	vld.idx.msk [tilespmem:v18+s12+$0x0], $0xffff;
	[tilespmem:s9+$0x8E80] =	vst v14;
	v14 =	vor.u32 $0x9, v2  }
0x199: {  	s14 =	sadd.s32 $0x10, s14;
	s17 =	sand.u32 $0x70, s16;
	s23 =	sand.u32 $0x3FFFFF80, s23;
	v15 =	vld.idx.msk [tilespmem:v15+s12+$0x0], $0xffff;
	[tilespmem:s3+$0x12D00] =	vst v7;
	v7 =	vor.u32 $0xE, v1  }
0x19a: {  	v17 =	vor.u32 $0x2, v5;
	s23 =	sor.u32 s17, s23;
	v8 =	vld.idx.msk [tilespmem:v8+s12+$0x0], $0xffff;
	[tilespmem:s14+$0x0] =	vst v9  }
0x19b: {  	v9 =	vld [tilespmem:s23+$0xA00];
	[tilespmem:s7+$0x8D80] =	vst v16;
	v16 =	vor.u32 $0x7, v3  }
0x19c: {  	v18 =	vld.idx.msk [tilespmem:v12+s12+$0x0], $0xffff;
	[tilespmem:s1+$0x12C00] =	vst v6;
	v6 =	vor.u32 $0xC, v0  }
0x19d: {  	v19 =	vshll.u32 v10, $0x4;
	v20 =	vld.idx.msk [tilespmem:v14+s12+$0x0], $0xffff;
	[tilespmem:s8+$0x12E80] =	vst v11;
	s8 =	smov.u32 s3;
	s3 =	smov.u32 s1;
	s1 =	smov.u32 s9  }
0x19e: {  	v11 =	vor.u32 $0x5, v4;
	s9 =	smov.u32 s7;
	s7 =	smov.u32 s22;
	[tilespmem:s22+$0x8C80] =	vst v13;
	v21 =	vld.idx.msk [tilespmem:v7+s12+$0x0], $0xffff  }
0x19f: {  	v7 =	vor.u32 $0xA, v2;
	v22 =	vld.idx.msk [tilespmem:v17+s12+$0x0], $0xffff;
	[tilespmem:s1+$0x8F00] =	vst v15  }
0x1a0: {  	v23 =	vld.idx.msk [tilespmem:v16+s12+$0x0], $0xffff;
	[tilespmem:s8+$0x12D80] =	vst v8;
	v8 =	vor.u32 $0xF, v1;
	v10 =	vmovc v9;
	v1 =	vmovc v0;
	v0 =	vmov v2;
	v2 =	vmov v3  }
0x1a1: {  	v16 =	vor.u32 $0x3, v5;
	v3 =	vmovc v4;
	v4 =	vmov v5;
	v5 =	vmov v19;
	v12 =	vld.idx.msk [tilespmem:v6+s12+$0x0], $0xffff  }
.Ltmp4:
0x1a2: {  	v13 =	vor.u32 $0x8, v2;
	v17 =	vld.idx.msk [tilespmem:v19+s12+$0x0], $0xffff;
	[tilespmem:s9+$0x8E00] =	vst v18;
	(pc) =	sbr.rel @p0 .LBB2_9-.Ltmp4, $4  }
0x1a3: {  	s11 =	sadd.s32 $0x10, s11;
	v14 =	vld.idx.msk [tilespmem:v11+s12+$0x0], $0xffff;
	[tilespmem:s3+$0x12C80] =	vst v20;
	v11 =	vor.u32 $0xD, v1  }
0x1a4: {  	v18 =	vor.u32 $0x1, v5;
	v7 =	vld.idx.msk [tilespmem:v7+s12+$0x0], $0xffff;
	[tilespmem:s11+$0x0] =	vst v21  }
0x1a5: {  	s22 =	sshll.u32 s18, $0x7;
	s18 =	smov.u32 s19;
	v15 =	vor.u32 $0x6, v3;
	[tilespmem:s7+$0x8D00] =	vst v22;
	v9 =	vld.idx.msk [tilespmem:v8+s12+$0x0], $0xffff  }
0x1a6: {  	s19 =	sadd.s32 $0x1, s19;
	s22 =	sand.u32 $0xFFFFFC00, s22;
	v8 =	vor.u32 $0xB, v0;
	v16 =	vld.idx.msk [tilespmem:v16+s12+$0x0], $0xffff;
	[tilespmem:s1+$0x8F80] =	vst v23  }
0x1a7: {  	v6 =	vshll.u32 v10, $0x4;
	_ =	sdelay $0x4  }
0x1a8: {  	v10 =	vld.idx.msk [tilespmem:v6+s12+$0x0], $0xffff  }
0x1a9: {  	v19 =	vor.u32 $0x1, v6  }
0x1aa: {  	s18 =	sshll.u32 s18, $0x7  }
0x1ab: {  	s16 =	sor.u32 s13, s22;
	s28 =	sand.u32 $0xFFFFFC00, s18  }
0x1ac: {  	[tilespmem:s16+$0x8C00] =	vst v17;
	s13 =	sor.u32 s17, s28  }
0x1ad: {  	v17 =	vld.idx.msk [tilespmem:v18+s12+$0x0], $0xffff;
	[tilespmem:s13+$0x8C00] =	vst v10  }
0x1ae: {  	v37 =	vor.u32 $0x2, v5;
	v38 =	vld.idx.msk [tilespmem:v19+s12+$0x0], $0xffff  }
0x1af: {  	v39 =	vor.u32 $0x2, v6;
	_ =	sdelay $0x2  }
0x1b0: {  	[tilespmem:s16+$0x8C80] =	vst v17  }
0x1b1: {  	v10 =	vld.idx.msk [tilespmem:v37+s12+$0x0], $0xffff;
	[tilespmem:s13+$0x8C80] =	vst v38  }
0x1b2: {  	v40 =	vor.u32 $0x3, v5;
	v18 =	vld.idx.msk [tilespmem:v39+s12+$0x0], $0xffff  }
0x1b3: {  	v41 =	vor.u32 $0x3, v6;
	_ =	sdelay $0x2  }
0x1b4: {  	[tilespmem:s16+$0x8D00] =	vst v10  }
0x1b5: {  	v42 =	vor.u32 $0x4, v4;
	v17 =	vld.idx.msk [tilespmem:v40+s12+$0x0], $0xffff;
	[tilespmem:s13+$0x8D00] =	vst v18  }
0x1b6: {  	v43 =	vor.u32 $0x4, v5;
	v19 =	vld.idx.msk [tilespmem:v41+s12+$0x0], $0xffff  }
0x1b7: {  	v20 =	vor.u32 $0x4, v6;
	_ =	sdelay $0x1  }
0x1b8: {  	[tilespmem:s7+$0x8D80] =	vst v16  }
0x1b9: {  	v10 =	vld.idx.msk [tilespmem:v42+s12+$0x0], $0xffff;
	[tilespmem:s16+$0x8D80] =	vst v17  }
0x1ba: {  	v44 =	vor.u32 $0x5, v4;
	v17 =	vld.idx.msk [tilespmem:v43+s12+$0x0], $0xffff;
	[tilespmem:s13+$0x8D80] =	vst v19  }
0x1bb: {  	v45 =	vor.u32 $0x5, v5;
	v19 =	vld.idx.msk [tilespmem:v20+s12+$0x0], $0xffff  }
0x1bc: {  	v46 =	vor.u32 $0x5, v6;
	_ =	sdelay $0x1  }
0x1bd: {  	[tilespmem:s7+$0x8E00] =	vst v10  }
0x1be: {  	v10 =	vld.idx.msk [tilespmem:v44+s12+$0x0], $0xffff;
	[tilespmem:s16+$0x8E00] =	vst v17  }
0x1bf: {  	v47 =	vor.u32 $0x6, v4;
	v17 =	vld.idx.msk [tilespmem:v45+s12+$0x0], $0xffff;
	[tilespmem:s13+$0x8E00] =	vst v19  }
0x1c0: {  	v48 =	vor.u32 $0x6, v5;
	v19 =	vld.idx.msk [tilespmem:v46+s12+$0x0], $0xffff  }
0x1c1: {  	v49 =	vor.u32 $0x6, v6  }
0x1c2: {  	[tilespmem:s9+$0x8E80] =	vst v14  }
0x1c3: {  	v14 =	vld.idx.msk [tilespmem:v15+s12+$0x0], $0xffff;
	[tilespmem:s7+$0x8E80] =	vst v10  }
0x1c4: {  	v50 =	vor.u32 $0x7, v3;
	v51 =	vld.idx.msk [tilespmem:v47+s12+$0x0], $0xffff;
	[tilespmem:s16+$0x8E80] =	vst v17  }
0x1c5: {  	v52 =	vor.u32 $0x7, v4;
	v17 =	vld.idx.msk [tilespmem:v48+s12+$0x0], $0xffff;
	[tilespmem:s13+$0x8E80] =	vst v19  }
0x1c6: {  	v53 =	vor.u32 $0x7, v5;
	v19 =	vld.idx.msk [tilespmem:v49+s12+$0x0], $0xffff  }
0x1c7: {  	[tilespmem:s8+$0x12E00] =	vst v12;
	v54 =	vor.u32 $0x7, v6  }
0x1c8: {  	[tilespmem:s9+$0x8F00] =	vst v14  }
0x1c9: {  	v10 =	vld.idx.msk [tilespmem:v50+s12+$0x0], $0xffff;
	[tilespmem:s7+$0x8F00] =	vst v51  }
0x1ca: {  	v55 =	vor.u32 $0x8, v3;
	v15 =	vld.idx.msk [tilespmem:v52+s12+$0x0], $0xffff;
	[tilespmem:s16+$0x8F00] =	vst v17  }
0x1cb: {  	v56 =	vor.u32 $0x8, v4;
	v17 =	vld.idx.msk [tilespmem:v53+s12+$0x0], $0xffff;
	[tilespmem:s13+$0x8F00] =	vst v19  }
0x1cc: {  	s14 =	sadd.s32 $0x10, s14;
	v57 =	vor.u32 $0x8, v5;
	[tilespmem:s3+$0x12D00] =	vst v7;
	v12 =	vld.idx.msk [tilespmem:v54+s12+$0x0], $0xffff  }
0x1cd: {  	v13 =	vld.idx.msk [tilespmem:v13+s12+$0x0], $0xffff;
	v58 =	vor.u32 $0x8, v6;
	[tilespmem:s14+$0x0] =	vst v9  }
0x1ce: {  	v11 =	vld.idx.msk [tilespmem:v11+s12+$0x0], $0xffff;
	[tilespmem:s9+$0x8F80] =	vst v10  }
0x1cf: {  	v59 =	vor.u32 $0x9, v2;
	v14 =	vld.idx.msk [tilespmem:v55+s12+$0x0], $0xffff;
	[tilespmem:s7+$0x8F80] =	vst v15  }
0x1d0: {  	v60 =	vor.u32 $0x9, v3;
	v16 =	vld.idx.msk [tilespmem:v56+s12+$0x0], $0xffff;
	[tilespmem:s16+$0x8F80] =	vst v17  }
0x1d1: {  	v61 =	vor.u32 $0x9, v4;
	v7 =	vld.idx.msk [tilespmem:v57+s12+$0x0], $0xffff;
	[tilespmem:s13+$0x8F80] =	vst v12  }
0x1d2: {  	v62 =	vor.u32 $0x9, v5;
	[tilespmem:s1+$0x12C00] =	vst v13;
	v9 =	vld.idx.msk [tilespmem:v58+s12+$0x0], $0xffff  }
0x1d3: {  	v63 =	vor.u32 $0x9, v6;
	v8 =	vld.idx.msk [tilespmem:v8+s12+$0x0], $0xffff;
	[tilespmem:s8+$0x12E80] =	vst v11  }
0x1d4: {  	v27 =	vor.u32 $0xC, v0;
	v10 =	vld.idx.msk [tilespmem:v59+s12+$0x0], $0xffff;
	[tilespmem:s9+$0x12C00] =	vst v14  }
0x1d5: {  	v21 =	vor.u32 $0xA, v2;
	v15 =	vld.idx.msk [tilespmem:v60+s12+$0x0], $0xffff;
	[tilespmem:s7+$0x12C00] =	vst v16  }
0x1d6: {  	v22 =	vor.u32 $0xA, v3;
	v17 =	vld.idx.msk [tilespmem:v61+s12+$0x0], $0xffff;
	[tilespmem:s16+$0x12C00] =	vst v7  }
0x1d7: {  	v23 =	vor.u32 $0xA, v4;
	v12 =	vld.idx.msk [tilespmem:v62+s12+$0x0], $0xffff;
	[tilespmem:s13+$0x12C00] =	vst v9  }
0x1d8: {  	v24 =	vor.u32 $0xA, v5;
	[tilespmem:s3+$0x12D80] =	vst v8;
	v9 =	vld.idx.msk [tilespmem:v63+s12+$0x0], $0xffff  }
0x1d9: {  	v26 =	vor.u32 $0xA, v6;
	v32 =	vld.idx.msk [tilespmem:v27+s12+$0x0], $0xffff;
	[tilespmem:s1+$0x12C80] =	vst v10  }
0x1da: {  	v20 =	vor.u32 $0xE, v1;
	v14 =	vld.idx.msk [tilespmem:v21+s12+$0x0], $0xffff;
	[tilespmem:s9+$0x12C80] =	vst v15  }
0x1db: {  	v28 =	vor.u32 $0xB, v2;
	v16 =	vld.idx.msk [tilespmem:v22+s12+$0x0], $0xffff;
	[tilespmem:s7+$0x12C80] =	vst v17  }
0x1dc: {  	v29 =	vor.u32 $0xB, v3;
	v7 =	vld.idx.msk [tilespmem:v23+s12+$0x0], $0xffff;
	[tilespmem:s16+$0x12C80] =	vst v12  }
0x1dd: {  	v30 =	vor.u32 $0xB, v4;
	v8 =	vld.idx.msk [tilespmem:v24+s12+$0x0], $0xffff;
	[tilespmem:s13+$0x12C80] =	vst v9  }
0x1de: {  	v31 =	vor.u32 $0xB, v5;
	[tilespmem:s3+$0x12E00] =	vst v32;
	v10 =	vld.idx.msk [tilespmem:v26+s12+$0x0], $0xffff  }
0x1df: {  	v33 =	vor.u32 $0xB, v6;
	v25 =	vld.idx.msk [tilespmem:v20+s12+$0x0], $0xffff;
	[tilespmem:s1+$0x12D00] =	vst v14  }
0x1e0: {  	v34 =	vor.u32 $0xF, v1;
	v14 =	vld.idx.msk [tilespmem:v28+s12+$0x0], $0xffff;
	[tilespmem:s9+$0x12D00] =	vst v16  }
0x1e1: {  	v35 =	vor.u32 $0xC, v2;
	v16 =	vld.idx.msk [tilespmem:v29+s12+$0x0], $0xffff;
	[tilespmem:s7+$0x12D00] =	vst v7  }
0x1e2: {  	v36 =	vor.u32 $0xC, v3;
	v12 =	vld.idx.msk [tilespmem:v30+s12+$0x0], $0xffff;
	[tilespmem:s16+$0x12D00] =	vst v8  }
0x1e3: {  	s11 =	sadd.s32 $0x10, s11;
	v37 =	vor.u32 $0xC, v4;
	v9 =	vld.idx.msk [tilespmem:v31+s12+$0x0], $0xffff;
	[tilespmem:s13+$0x12D00] =	vst v10  }
0x1e4: {  	v38 =	vor.u32 $0xC, v5;
	[tilespmem:s11+$0x0] =	vst v25;
	v39 =	vld.idx.msk [tilespmem:v33+s12+$0x0], $0xffff  }
0x1e5: {  	v40 =	vor.u32 $0xC, v6;
	v1 =	vld.idx.msk [tilespmem:v34+s12+$0x0], $0xffff;
	[tilespmem:s1+$0x12D80] =	vst v14  }
0x1e6: {  	v41 =	vor.u32 $0xD, v0;
	v15 =	vld.idx.msk [tilespmem:v35+s12+$0x0], $0xffff;
	[tilespmem:s9+$0x12D80] =	vst v16  }
0x1e7: {  	v42 =	vor.u32 $0xD, v2;
	v7 =	vld.idx.msk [tilespmem:v36+s12+$0x0], $0xffff;
	[tilespmem:s7+$0x12D80] =	vst v12  }
0x1e8: {  	v43 =	vor.u32 $0xD, v3;
	v8 =	vld.idx.msk [tilespmem:v37+s12+$0x0], $0xffff;
	[tilespmem:s16+$0x12D80] =	vst v9  }
0x1e9: {  	s14 =	sadd.s32 $0x10, s14;
	v44 =	vor.u32 $0xD, v4;
	v10 =	vld.idx.msk [tilespmem:v38+s12+$0x0], $0xffff;
	[tilespmem:s13+$0x12D80] =	vst v39  }
0x1ea: {  	v45 =	vor.u32 $0xD, v5;
	[tilespmem:s14+$0x0] =	vst v1;
	v11 =	vld.idx.msk [tilespmem:v40+s12+$0x0], $0xffff  }
0x1eb: {  	v47 =	vor.u32 $0xD, v6;
	v46 =	vld.idx.msk [tilespmem:v41+s12+$0x0], $0xffff;
	[tilespmem:s1+$0x12E00] =	vst v15  }
0x1ec: {  	v48 =	vor.u32 $0xE, v0;
	v16 =	vld.idx.msk [tilespmem:v42+s12+$0x0], $0xffff;
	[tilespmem:s9+$0x12E00] =	vst v7  }
0x1ed: {  	v49 =	vor.u32 $0xE, v2;
	v12 =	vld.idx.msk [tilespmem:v43+s12+$0x0], $0xffff;
	[tilespmem:s7+$0x12E00] =	vst v8  }
0x1ee: {  	v50 =	vor.u32 $0xE, v3;
	v9 =	vld.idx.msk [tilespmem:v44+s12+$0x0], $0xffff;
	[tilespmem:s16+$0x12E00] =	vst v10  }
0x1ef: {  	v51 =	vor.u32 $0xE, v4;
	v1 =	vld.idx.msk [tilespmem:v45+s12+$0x0], $0xffff;
	[tilespmem:s13+$0x12E00] =	vst v11  }
0x1f0: {  	v52 =	vor.u32 $0xE, v5;
	[tilespmem:s3+$0x12E80] =	vst v46;
	v53 =	vld.idx.msk [tilespmem:v47+s12+$0x0], $0xffff  }
0x1f1: {  	v55 =	vor.u32 $0xE, v6;
	v54 =	vld.idx.msk [tilespmem:v48+s12+$0x0], $0xffff;
	[tilespmem:s1+$0x12E80] =	vst v16  }
0x1f2: {  	v56 =	vor.u32 $0xF, v0;
	v7 =	vld.idx.msk [tilespmem:v49+s12+$0x0], $0xffff;
	[tilespmem:s9+$0x12E80] =	vst v12  }
0x1f3: {  	v57 =	vor.u32 $0xF, v2;
	v8 =	vld.idx.msk [tilespmem:v50+s12+$0x0], $0xffff;
	[tilespmem:s7+$0x12E80] =	vst v9  }
0x1f4: {  	v58 =	vor.u32 $0xF, v3;
	v9 =	vld.idx.msk [tilespmem:v51+s12+$0x0], $0xffff;
	[tilespmem:s16+$0x12E80] =	vst v1  }
0x1f5: {  	v59 =	vor.u32 $0xF, v4;
	s16 =	sadd.s32 $0x10, s11;
	v60 =	vld.idx.msk [tilespmem:v52+s12+$0x0], $0xffff;
	[tilespmem:s13+$0x12E80] =	vst v53  }
0x1f6: {  	v61 =	vor.u32 $0xF, v5;
	[tilespmem:s16+$0x0] =	vst v54;
	s1 =	sadd.s32 $0x10, s16;
	v62 =	vld.idx.msk [tilespmem:v55+s12+$0x0], $0xffff  }
0x1f7: {  	v6 =	vor.u32 $0xF, v6;
	v0 =	vld.idx.msk [tilespmem:v56+s12+$0x0], $0xffff;
	[tilespmem:s1+$0x0] =	vst v7;
	s1 =	sadd.s32 $0x10, s1  }
0x1f8: {  	v2 =	vld.idx.msk [tilespmem:v57+s12+$0x0], $0xffff;
	[tilespmem:s1+$0x0] =	vst v8;
	s1 =	sadd.s32 $0x10, s1  }
0x1f9: {  	v3 =	vld.idx.msk [tilespmem:v58+s12+$0x0], $0xffff;
	[tilespmem:s1+$0x0] =	vst v9;
	s1 =	sadd.s32 $0x10, s1  }
0x1fa: {  	v1 =	vld.idx.msk [tilespmem:v59+s12+$0x0], $0xffff;
	[tilespmem:s1+$0x0] =	vst v60;
	s1 =	sadd.s32 $0x10, s1  }
0x1fb: {  	s17 =	sadd.s32 $0x10, s14;
	v4 =	vld.idx.msk [tilespmem:v61+s12+$0x0], $0xffff;
	[tilespmem:s1+$0x0] =	vst v62  }
0x1fc: {  	s18 =	sadd.s32 $0x10, s17;
	[tilespmem:s17+$0x0] =	vst v0;
	v63 =	vld.idx.msk [tilespmem:v6+s12+$0x0], $0xffff  }
0x1fd: {  	[tilespmem:s18+$0x0] =	vst v2;
	s1 =	sadd.s32 $0x10, s18  }
0x1fe: {  	[tilespmem:s1+$0x0] =	vst v3;
	s1 =	sadd.s32 $0x10, s1  }
0x1ff: {  	[tilespmem:s1+$0x0] =	vst v1;
	s1 =	sadd.s32 $0x10, s1  }
0x200: {  	s19 =	sadd.s32 s2, s31;
	[tilespmem:s1+$0x0] =	vst v4;
	s1 =	sadd.s32 $0x10, s1  }
0x201: {  	s22 =	simm.s32 $0x1E00;
	s23 =	sadd.s32 s4, s31;
	s29 =	sadd.s32 $0x1, s29;
	[tilespmem:s1+$0x0] =	vst v63  }
0x202: {  	[hbm4b:s19+s6] =	stream.linear.scatter [tilespmem:s22], [sflag:$0x4], $0xA00, $0x38;
	[tilespmem:$0x18160] =	vst v63  }
0x203: {  	s24 =	smul.u32 $0x5000, s30;
	p0 =	sne.s32 s29, $0x14;
	s28 =	simm.s32 $0x3200  }
0x204: {  	[hbm4b:s23+s6] =	stream.linear.scatter [tilespmem:s28], [sflag:$0x4], $0xA00, $0x38;
	[tilespmem:$0x18160] =	vst v63  }
.Ltmp5:
0x205: {  	s30 =	sshrl.u32 s24, $0x3;
	(pc) =	sbr.rel @p0 .LBB2_2-.Ltmp5, $4  }
0x206: {  	s31 =	simm.s32 $0x8C00;
	s1 =	sadd.s32 s5, s30  }
0x207: {  	[hbm4b:s1+s6] =	stream.linear.scatter [tilespmem:s31], [sflag:$0x4], $0x5000, $0x38;
	[tilespmem:$0x18160] =	vst v63  }
0x208: {  	s1 =	sadd.s32 $0x30D400, s1  }
0x209: {  	[hbm4b:s1+s6] =	stream.linear.scatter [tilespmem:s25], [sflag:$0x4], $0x5000, $0x38;
	[tilespmem:$0x18160] =	vst v63  }
0x20a: {  	s1 =	simm.s32 $0x3  }
0x20b: {  	_ =	swait.ge [sflag:s1], $0xA00  }
0x20c: {  	[sflag:s1] =	ssyncset.done $0x0  }
0x20d: {  	[sflag:s1] =	ssyncadd.s32 $0xFFFFF600  }
0x20e: {  	_ =	swait.ge [sflag:s1], $0xA00  }
0x20f: {  	[sflag:s1] =	ssyncset.done $0x0  }
0x210: {  	[sflag:s1] =	ssyncadd.s32 $0xFFFFF600  }
0x211: {  	_ =	swait.ge [sflag:s1], $0x5000  }
0x212: {  	[sflag:s1] =	ssyncset.done $0x0  }
0x213: {  	[sflag:s1] =	ssyncadd.s32 $0xFFFFB000  }
0x214: {  	_ =	swait.ge [sflag:s1], $0x5000  }
0x215: {  	[sflag:s1] =	ssyncset.done $0x0  }
0x216: {  	[sflag:s1] =	ssyncadd.s32 $0xFFFFB000  }
0x217: {  	_ =	swait.ge [sflag:s21], $0xA00  }
0x218: {  	[sflag:s21] =	ssyncset.done $0x0  }
0x219: {  	[sflag:s21] =	ssyncadd.s32 $0xFFFFF600  }
0x21a: {  	_ =	swait.ge [sflag:s21], $0xA00  }
0x21b: {  	[sflag:s21] =	ssyncset.done $0x0  }
0x21c: {  	[sflag:s21] =	ssyncadd.s32 $0xFFFFF600  }
0x21d: {  	_ =	swait.ge [sflag:s21], $0x5000  }
0x21e: {  	[sflag:s21] =	ssyncset.done $0x0  }
0x21f: {  	[sflag:s21] =	ssyncadd.s32 $0xFFFFB000  }
0x220: {  	_ =	swait.ge [sflag:s21], $0x5000  }
0x221: {  	s3 =	rddreg [dreg:$0x9]  }
0x222: {  	s31 =	rddreg [dreg:$0x8];
	s3 =	sadd.s32 $0x1, s3  }
0x223: {  	p0 =	sne.s32 s3, s31  }
.Ltmp6:
0x224: {  	_ = 	snop;
	(pc) =	sbr.rel @p0 .LBB2_1-.Ltmp6, $3  }
0x225: {  	_ =	sdelay $0x1  }
0x226: {  	[sflag:s21] =	ssyncset.done $0x0  }
0x227: {  	[sflag:s21] =	ssyncadd.s32 $0xFFFFB000  }
0x228: {  	_ =	sfence.sel $0x180000  }
0x229: {  	[bflag:$0x0] =	sbarrier.arrive $0xFFFF  }
0x22a: {  	_ =	strace $0x90000047  }
0x22b: {  	s0 =	stileid.u32;
	[bflag:$0x2] =	sbarrier.arrive $0xFFFF  }
0x22c: {  	p0 =	sne.s32 s0, $0x0;
	s0 =	rddreg [dreg:$0x5]  }
0x22d: {  	s0 =	sadd.s32 @!p0 $0x100000, s0  }
0x22e: {  	[sflag:s0] =	ssyncadd.tile.s32 @!p0 $0x1;
	_ =	shalt  }
.Lfunc_end2:
_tile_overlayer_lowered:
.L_overlay_start_2:
0x22f: {  	(tag) =	ssettag $0x2  }
0x230: {  	s0 =	rddreg [dreg:$0x0];
	s2 =	stileid.u32  }
0x231: {  	s1 =	rddreg [dreg:$0x1];
	p0 =	sne.s32 s2, $0x0  }
0x232: {  	s3 =	rddreg [dreg:$0x2];
	[bflag:$0x3] =	sbarrier.arrive $0xFFFF;
	s2 =	simm.s32 @!p0 $0x1C05  }
0x233: {  	[timem:s3], [sflag:s2] =	dma.local @!p0 [hbm:s0], s1  }
0x234: {  	s0 =	simm.s32 @!p0 $0x5  }
0x235: {  	_ =	swait.ge @!p0 [sflag:s0], s1  }
0x236: {  	s1 =	ssub.s32 @!p0 $0x0, s1;
	[sflag:s0] =	ssyncset.done @!p0 $0x0  }
0x237: {  	[sflag:s0] =	ssyncadd.s32 @!p0 s1  }
0x238: {  	[bflag:$0x3] =	sbarrier.arrive $0xFFFF  }
0x239: {  	_ =	shalt  }

</sc_bundles>
